<compile_context>
chip_gen: v7x
topology: tpu7x:2x2x1
jax: 0.10.2.dev20260603
libtpu: 0.0.44.dev20260713+nightly
codegen_flags: <defaults>
</compile_context>

<pallas_src>
import functools

import jax
import jax.numpy as jnp
from jax import lax
from jax.experimental import pallas as pl
from jax.experimental.pallas import tpu as pltpu
from jax.experimental.pallas import tpu_sc as plsc

N_NODES = 10000
N_EDGES = 320000
D_FEAT = 128

_NC = 2
_NS = 16
_NW = _NC * _NS
_EPW = N_EDGES // _NW
_L = 16

_CW = 10240
_GRP = _CW // _L
_TAIL_C0 = N_EDGES - _CW
_TAIL_LO = (_NW - 1) * _CW - _TAIL_C0

def _sc_mesh():
    return plsc.VectorSubcoreMesh(
        core_axis_name="c", subcore_axis_name="s", num_cores=_NC, num_subcores=_NS
    )


def _chunk_start_and_lo(wid):
    c0 = jnp.where(wid == _NW - 1, _TAIL_C0, wid * _CW)
    c0 = pl.multiple_of(c0, 128)
    lo = jnp.where(wid == _NW - 1, _TAIL_LO, 0)
    return c0, lo


def _deg_body(ei_hbm, out_hbm, ei_v, acc_v, sem):
    wid = lax.axis_index("s") * _NC + lax.axis_index("c")
    c0, lo = _chunk_start_and_lo(wid)
    cp = pltpu.async_copy(ei_hbm.at[:, pl.ds(c0, _CW)], ei_v, sem)

    zeros = jnp.zeros((_L,), jnp.float32)

    @plsc.parallel_loop(0, N_NODES // _L, unroll=4)
    def _zero(i):
        acc_v[pl.ds(i * _L, _L)] = zeros

    cp.wait()

    ones = jnp.ones((_L,), jnp.float32)
    lane = lax.iota(jnp.int32, _L)

    @plsc.parallel_loop(0, _GRP, unroll=4)
    def _count(i):
        m = (i * _L + lane) >= lo
        d = ei_v[1, pl.ds(i * _L, _L)]
        plsc.addupdate_scatter(acc_v, [d], ones, mask=m)

    pltpu.sync_copy(acc_v, out_hbm.at[wid])


@functools.cache
def _deg_kernel():
    return pl.kernel(
        _deg_body,
        out_type=jax.ShapeDtypeStruct((_NW, N_NODES), jnp.float32),
        mesh=_sc_mesh(),
        scratch_types=[
            pltpu.VMEM((2, _CW), jnp.int32),
            pltpu.VMEM((N_NODES,), jnp.float32),
            pltpu.SemaphoreType.DMA,
        ],
        name="sc_deg",
        compiler_params=pltpu.CompilerParams(needs_layout_passes=False),
    )


def _agg_body(ei_hbm, w_hbm, out_hbm, ei_v, w_v, acc_v, sem):
    wid = lax.axis_index("s") * _NC + lax.axis_index("c")
    c0, lo = _chunk_start_and_lo(wid)
    cp1 = pltpu.async_copy(ei_hbm.at[:, pl.ds(c0, _CW)], ei_v, sem)
    cp2 = pltpu.async_copy(w_hbm.at[0], w_v, sem)

    zeros = jnp.zeros((_L,), jnp.float32)

    @plsc.parallel_loop(0, N_NODES // _L, unroll=4)
    def _zero(i):
        acc_v[pl.ds(i * _L, _L)] = zeros

    cp1.wait()
    cp2.wait()

    lane = lax.iota(jnp.int32, _L)

    @plsc.parallel_loop(0, _GRP, unroll=4)
    def _edge(i):
        m = (i * _L + lane) >= lo
        s = ei_v[0, pl.ds(i * _L, _L)]
        d = ei_v[1, pl.ds(i * _L, _L)]
        vals = plsc.load_gather(w_v, [s], mask=m)
        plsc.addupdate_scatter(acc_v, [d], vals, mask=m)

    pltpu.sync_copy(acc_v, out_hbm.at[wid])


@functools.cache
def _agg_kernel():
    return pl.kernel(
        _agg_body,
        out_type=jax.ShapeDtypeStruct((_NW, N_NODES), jnp.float32),
        mesh=_sc_mesh(),
        scratch_types=[
            pltpu.VMEM((2, _CW), jnp.int32),
            pltpu.VMEM((N_NODES,), jnp.float32),
            pltpu.VMEM((N_NODES,), jnp.float32),
            pltpu.SemaphoreType.DMA,
        ],
        compiler_params=pltpu.CompilerParams(needs_layout_passes=False),
    )


def _mm_body(x_ref, w_ref_in, ws_ref_in, y_ref, z_ref):
    wc = jnp.concatenate([w_ref_in[...], ws_ref_in[...]], axis=1)
    y2t = lax.dot_general(
        wc, x_ref[...], (((0,), (1,)), ((), ())),
        preferred_element_type=jnp.float32,
    )
    y_ref[...] = y2t[0:1, :]
    z_ref[...] = y2t[1:2, :]


_mm_call = pl.pallas_call(
    _mm_body,
    out_shape=(
        jax.ShapeDtypeStruct((1, N_NODES), jnp.float32),
        jax.ShapeDtypeStruct((1, N_NODES), jnp.float32),
    ),
)


def _norm_body(degp_ref, y_ref, w_ref, norm_ref):
    deg = jnp.sum(degp_ref[...], axis=0, keepdims=True)
    norm = 1.0 / jnp.sqrt(jnp.clip(deg, 1.0, None))
    norm_ref[...] = norm
    w_ref[...] = y_ref[...] * norm


_norm_call = pl.pallas_call(
    _norm_body,
    out_shape=(
        jax.ShapeDtypeStruct((1, N_NODES), jnp.float32),
        jax.ShapeDtypeStruct((1, N_NODES), jnp.float32),
    ),
)


def _fin_body(aggp_ref, norm_ref, z_ref, b_ref, g_ref, act_ref, lp_ref):
    agg = jnp.sum(aggp_ref[...], axis=0, keepdims=True)
    pred = norm_ref[...] * agg + z_ref[...] + b_ref[0, 0]
    m = jnp.max(pred)
    s = jnp.sum(jnp.exp(pred - m))
    t = pred + g_ref[...]
    tm = jnp.max(t)
    idx = lax.broadcasted_iota(jnp.int32, t.shape, 1)
    act = jnp.min(jnp.where(t == tm, idx, jnp.int32(N_NODES)))
    act_ref[...] = jnp.reshape(act, (1, 1))
    pred_at = jnp.sum(jnp.where(idx == act, pred, 0.0))
    lp_ref[...] = jnp.reshape(pred_at - m - jnp.log(s), (1, 1))


_fin_call = pl.pallas_call(
    _fin_body,
    out_shape=(
        jax.ShapeDtypeStruct((1, 1), jnp.int32),
        jax.ShapeDtypeStruct((1, 1), jnp.float32),
    ),
)


def _np_threefry2x32(k1, k2, x0, x1):
    import numpy as np

    def rotl(v, d):
        return (v << np.uint32(d)) | (v >> np.uint32(32 - d))

    rot_a = (13, 15, 26, 6)
    rot_b = (17, 29, 16, 24)
    ks = [k1, k2, np.uint32(k1 ^ k2 ^ np.uint32(0x1BD11BDA))]
    x = [x0 + ks[0], x1 + ks[1]]

    def rounds(x, rots):
        for r in rots:
            x[0] = x[0] + x[1]
            x[1] = x[0] ^ rotl(x[1], r)
        return x

    x = rounds(x, rot_a)
    x[0] += ks[1]
    x[1] += ks[2] + np.uint32(1)
    x = rounds(x, rot_b)
    x[0] += ks[2]
    x[1] += ks[0] + np.uint32(2)
    x = rounds(x, rot_a)
    x[0] += ks[0]
    x[1] += ks[1] + np.uint32(3)
    x = rounds(x, rot_b)
    x[0] += ks[1]
    x[1] += ks[2] + np.uint32(4)
    x = rounds(x, rot_a)
    x[0] += ks[2]
    x[1] += ks[0] + np.uint32(5)
    return x


@functools.cache
def _gumbel_const():
    import numpy as np

    old = np.seterr(over="ignore")
    try:
        k1, k2 = np.uint32(0), np.uint32(42)
        idx = np.arange(N_NODES, dtype=np.uint64)
        c1 = (idx >> np.uint64(32)).astype(np.uint32)
        c2 = (idx & np.uint64(0xFFFFFFFF)).astype(np.uint32)
        b1, b2 = _np_threefry2x32(k1, k2, c1, c2)
        bits = b1 ^ b2
        float_bits = (bits >> np.uint32(9)) | np.uint32(0x3F800000)
        floats = float_bits.view(np.float32) - np.float32(1.0)
        tiny = np.float32(np.finfo(np.float32).tiny)
        span = np.float32(np.float32(1.0) - tiny)
        u = np.maximum(tiny, floats * span + tiny)
        g = -np.log(-np.log(u))
    finally:
        np.seterr(**old)
    return g.astype(np.float32).reshape(1, N_NODES)


def kernel(x, edge_index, batch, W, W_self, b):
    gumbel = jnp.asarray(_gumbel_const())

    y, z = _mm_call(x, W, W_self)
    degp = _deg_kernel()(edge_index)
    wvec, norm = _norm_call(degp, y)
    aggp = _agg_kernel()(edge_index, wvec)
    act, lp = _fin_call(aggp, norm, z, jnp.reshape(b, (1, 1)), gumbel)

    action_index = jnp.reshape(act, (1,))
    log_prob = lp
    return action_index, log_prob

# --- scband reference (transcript-rebuilt; emitter-appended) ---
"""Pipeline reference for scband-actor-73572789780711 (READ-ONLY COPY).

The authoritative reference and input builder live on the scoring server;
editing this copy changes nothing except your own understanding.
"""

import jax, jax.numpy as jnp
import numpy as np

N_NODES = 10000
N_EDGES = 320000
D_FEAT = 128


def setup_inputs(seed: int = 0) -> dict:
    key = jax.random.key(seed)
    k1, k2, k3, k4 = jax.random.split(key, 4)
    x = jax.random.normal(k1, (N_NODES, D_FEAT), dtype=jnp.float32)
    edge_index = jax.random.randint(k2, (2, N_EDGES), 0, N_NODES, dtype=jnp.int32)
    batch = jnp.zeros((N_NODES,), dtype=jnp.int32)
    # learned parameters of the surrogate GCN policy network (d_feat -> 1 logit per node)
    W = jax.random.normal(k3, (D_FEAT, 1), dtype=jnp.float32) * 0.05
    W_self = jax.random.normal(k4, (D_FEAT, 1), dtype=jnp.float32) * 0.05
    b = jnp.zeros((1,), dtype=jnp.float32)
    return {"x": x, "edge_index": edge_index, "batch": batch, "W": W, "W_self": W_self, "b": b}


def _policy_network(x, edge_index, batch, W, W_self, b):
    # Single symmetric-normalized GCN layer producing one logit per node.
    N = x.shape[0]
    src = edge_index[0]
    dst = edge_index[1]
    deg = jnp.zeros((N,), x.dtype).at[dst].add(1.0)
    norm = 1.0 / jnp.sqrt(jnp.clip(deg, 1.0, None))
    msgs = x[src] * norm[src][:, None]          # gather (memory-bound)
    agg = jnp.zeros((N, x.shape[1]), x.dtype).at[dst].add(msgs)  # scatter-add
    agg = agg * norm[:, None]
    pred = agg @ W + x @ W_self + b             # [N, 1] logits
    return pred


def reference(x, edge_index, batch, W, W_self, b):
    pred = _policy_network(x, edge_index, batch, W, W_self, b)
    # F.softmax(pred, dim=0): softmax across all nodes
    probabilities = jax.nn.softmax(pred, axis=0)  # [N, 1]
    # torch.multinomial(probabilities.squeeze(), 1) -> categorical sample (fixed key for determinism)
    logits = jnp.log(probabilities.squeeze(-1) + 1e-20)
    action = jax.random.categorical(jax.random.key(42), logits)
    action_index = jnp.reshape(action, (1,))
    # log_prob = torch.log(probabilities[action_index]) -> [1, 1]
    log_prob = jnp.log(probabilities[action_index])
    return action_index, log_prob

if __name__ == "__main__":
    import jax
    _d = setup_inputs()
    print(jax.jit(kernel)(*tuple(_d.values())))

</pallas_src>

<mosaic_0001>
#map = affine_map<(d0, d1) -> (0, 0)>
module attributes {stable_mosaic.version = 14 : i64} {
  func.func @sc_deg(%arg0: i32, %arg1: i32, %arg2: memref<2x320000xi32, #tpu.memory_space<hbm>>, %arg3: memref<32x10000xf32, #tpu.memory_space<hbm>>, %arg4: memref<2x10240xi32, #tpu.memory_space<vmem>>, %arg5: memref<10000xf32, #tpu.memory_space<vmem>>, %arg6: memref<!tpu.dma_semaphore, #tpu.memory_space<semaphore_mem>>) attributes {dimension_semantics = [#tpu.dimension_semantics<core_parallel>, #tpu.dimension_semantics<subcore_parallel>], iteration_bounds = array<i64: 2, 16>, scalar_prefetch = 0 : i64, scratch_operands = 3 : i64, tpu.core_type = #tpu.core_type<sc_vector_subcore>, window_params = [{transform_indices = #map}, {transform_indices = #map}]} {
    %mul3A = arith.constant 2 : i32
    %mul3A_0 = arith.muli %arg1, %mul3A : i32
    %add3A = arith.addi %mul3A_0, %arg0 : i32
    %eq3A = arith.constant 31 : i32
    %eq3A_1 = arith.cmpi eq, %add3A, %eq3A : i32
    %mul3A_2 = arith.constant 10240 : i32
    %mul3A_3 = arith.muli %add3A, %mul3A_2 : i32
    %jit3A = arith.constant 309760 : i32
    %select_n3A = arith.select %eq3A_1, %jit3A, %mul3A_3 : i32
    %multiple_of3A = tpu.assume_multiple %select_n3A, 128 : i32
    %eq3A_4 = arith.constant 31 : i32
    %eq3A_5 = arith.cmpi eq, %add3A, %eq3A_4 : i32
    %jit3A_6 = arith.constant 7680 : i32
    %jit3A_7 = arith.constant 0 : i32
    %select_n3A_8 = arith.select %eq3A_5, %jit3A_6, %jit3A_7 : i32
    %dma_start3A = arith.constant 0 : i32
    %dma_start3A_9 = tpu.memref_slice %arg2[%dma_start3A, %multiple_of3A] : memref<2x320000xi32, #tpu.memory_space<hbm>> -> memref<2x10240xi32, #tpu.memory_space<hbm>>
    %dma_start3A_10 = arith.constant 0 : i32
    %dma_start3A_11 = tpu.memref_slice %arg2[%dma_start3A_10, %multiple_of3A] : memref<2x320000xi32, #tpu.memory_space<hbm>> -> memref<2x10240xi32, #tpu.memory_space<hbm>>
    tpu.enqueue_dma source(%dma_start3A_11 : memref<2x10240xi32, #tpu.memory_space<hbm>>) target(%arg4 : memref<2x10240xi32, #tpu.memory_space<vmem>>) target_semaphore(%arg6 : memref<!tpu.dma_semaphore, #tpu.memory_space<semaphore_mem>>)
    %broadcast_in_dim3A = arith.constant 0.000000e+00 : f32
    %broadcast_in_dim3A_12 = vector.broadcast %broadcast_in_dim3A : f32 to vector<16xf32>
    %parallel_loop3A = arith.constant 0 : i32
    %parallel_loop3A_13 = arith.constant 625 : i32
    %parallel_loop3A_14 = arith.constant 1 : i32
    scf.for %parallel_loop3A_23 = %parallel_loop3A to %parallel_loop3A_13 step %parallel_loop3A_14  : i32 {
      %parallel_loop3A_24 = arith.constant 16 : i32
      %parallel_loop3A_25 = arith.muli %parallel_loop3A_23, %parallel_loop3A_24 : i32
      %parallel_loop3A_26 = arith.index_cast %parallel_loop3A_25 : i32 to index
      %parallel_loop3A_27 = tpu.vector_load %arg5[%parallel_loop3A_26] {strides = array<i32>} : memref<10000xf32, #tpu.memory_space<vmem>>, vector<16xf32>,
      tpu.vector_store %arg5[%parallel_loop3A_26], %broadcast_in_dim3A_12 {strides = array<i32>} : memref<10000xf32, #tpu.memory_space<vmem>>, vector<16xf32>,
    } {sc.loop_unroll_factor = 4 : i64, sc.parallel_access}
    %dma_wait3A = arith.constant 0 : i32
    %dma_wait3A_15 = tpu.memref_slice %arg2[%dma_wait3A, %multiple_of3A] : memref<2x320000xi32, #tpu.memory_space<hbm>> -> memref<2x10240xi32, #tpu.memory_space<hbm>>
    %dma_wait3A_16 = arith.constant 0 : i32
    %dma_wait3A_17 = tpu.memref_slice %arg2[%dma_wait3A_16, %multiple_of3A] : memref<2x320000xi32, #tpu.memory_space<hbm>> -> memref<2x10240xi32, #tpu.memory_space<hbm>>
    tpu.wait_dma2 semaphore(%arg6 : memref<!tpu.dma_semaphore, #tpu.memory_space<semaphore_mem>>) src(%dma_wait3A_17 : memref<2x10240xi32, #tpu.memory_space<hbm>>) dst(%arg4 : memref<2x10240xi32, #tpu.memory_space<vmem>>)
    %broadcast_in_dim3A_18 = arith.constant 1.000000e+00 : f32
    %broadcast_in_dim3A_19 = vector.broadcast %broadcast_in_dim3A_18 : f32 to vector<16xf32>
    %iota3A = tpu.iota {dimensions = array<i32: 0>} : vector<16xi32>
    %parallel_loop3A_20 = arith.constant 0 : i32
    %parallel_loop3A_21 = arith.constant 640 : i32
    %parallel_loop3A_22 = arith.constant 1 : i32
    scf.for %parallel_loop3A_23 = %parallel_loop3A_20 to %parallel_loop3A_21 step %parallel_loop3A_22  : i32 {
      %parallel_loop3A_24 = arith.constant 16 : i32
      %parallel_loop3A_25 = arith.muli %parallel_loop3A_23, %parallel_loop3A_24 : i32
      %parallel_loop3A_26 = vector.broadcast %parallel_loop3A_25 : i32 to vector<16xi32>
      %parallel_loop3A_27 = arith.addi %parallel_loop3A_26, %iota3A : vector<16xi32>
      %parallel_loop3A_28 = vector.broadcast %select_n3A_8 : i32 to vector<16xi32>
      %parallel_loop3A_29 = arith.cmpi sge, %parallel_loop3A_27, %parallel_loop3A_28 : vector<16xi32>
      %parallel_loop3A_30 = arith.constant 16 : i32
      %parallel_loop3A_31 = arith.muli %parallel_loop3A_23, %parallel_loop3A_30 : i32
      %parallel_loop3A_32 = arith.constant 1 : i32
      %parallel_loop3A_33 = arith.index_cast %parallel_loop3A_32 : i32 to index
      %parallel_loop3A_34 = arith.index_cast %parallel_loop3A_31 : i32 to index
      %parallel_loop3A_35 = tpu.vector_load %arg4[%parallel_loop3A_33, %parallel_loop3A_34] {strides = array<i32>} : memref<2x10240xi32, #tpu.memory_space<vmem>>, vector<16xi32>,
      tpu.vector_store_idx %arg5[%parallel_loop3A_35], %broadcast_in_dim3A_19 masked %parallel_loop3A_29 {add = true} : memref<10000xf32, #tpu.memory_space<vmem>>[vector<16xi32>], vector<16xf32>, vector<16xi1>
    } {sc.loop_unroll_factor = 4 : i64, sc.parallel_access}
    "tpu.region"() ({
      %run_scoped3A = tpu.sem_alloc : memref<!tpu.dma_semaphore, #tpu.memory_space<semaphore_mem>>
      %dma_start3A_23 = arith.constant 0 : i32
      %dma_start3A_24 = tpu.memref_slice %arg3[%add3A, %dma_start3A_23] : memref<32x10000xf32, #tpu.memory_space<hbm>> -> memref<1x10000xf32, #tpu.memory_space<hbm>>
      %dma_start3A_25 = tpu.memref_squeeze %dma_start3A_24 : memref<1x10000xf32, #tpu.memory_space<hbm>> -> memref<10000xf32, #tpu.memory_space<hbm>>
      %dma_start3A_26 = arith.constant 0 : i32
      %dma_start3A_27 = tpu.memref_slice %arg3[%add3A, %dma_start3A_26] : memref<32x10000xf32, #tpu.memory_space<hbm>> -> memref<1x10000xf32, #tpu.memory_space<hbm>>
      %dma_start3A_28 = tpu.memref_squeeze %dma_start3A_27 : memref<1x10000xf32, #tpu.memory_space<hbm>> -> memref<10000xf32, #tpu.memory_space<hbm>>
      tpu.enqueue_dma source(%arg5 : memref<10000xf32, #tpu.memory_space<vmem>>) target(%dma_start3A_28 : memref<10000xf32, #tpu.memory_space<hbm>>) target_semaphore(%run_scoped3A : memref<!tpu.dma_semaphore, #tpu.memory_space<semaphore_mem>>)
      %dma_wait3A_29 = arith.constant 0 : i32
      %dma_wait3A_30 = tpu.memref_slice %arg3[%add3A, %dma_wait3A_29] : memref<32x10000xf32, #tpu.memory_space<hbm>> -> memref<1x10000xf32, #tpu.memory_space<hbm>>
      %dma_wait3A_31 = tpu.memref_squeeze %dma_wait3A_30 : memref<1x10000xf32, #tpu.memory_space<hbm>> -> memref<10000xf32, #tpu.memory_space<hbm>>
      %dma_wait3A_32 = arith.constant 0 : i32
      %dma_wait3A_33 = tpu.memref_slice %arg3[%add3A, %dma_wait3A_32] : memref<32x10000xf32, #tpu.memory_space<hbm>> -> memref<1x10000xf32, #tpu.memory_space<hbm>>
      %dma_wait3A_34 = tpu.memref_squeeze %dma_wait3A_33 : memref<1x10000xf32, #tpu.memory_space<hbm>> -> memref<10000xf32, #tpu.memory_space<hbm>>
      tpu.wait_dma2 semaphore(%run_scoped3A : memref<!tpu.dma_semaphore, #tpu.memory_space<semaphore_mem>>) src(%arg5 : memref<10000xf32, #tpu.memory_space<vmem>>) dst(%dma_wait3A_34 : memref<10000xf32, #tpu.memory_space<hbm>>)
      tpu.yield
    }) : () -> ()
    return
  }
}

#map = affine_map<(d0, d1) -> (0, 0)>
module attributes {stable_mosaic.version = 14 : i64} {
  func.func @_agg_body(%arg0: i32, %arg1: i32, %arg2: memref<2x320000xi32, #tpu.memory_space<hbm>>, %arg3: memref<1x10000xf32, #tpu.memory_space<hbm>>, %arg4: memref<32x10000xf32, #tpu.memory_space<hbm>>, %arg5: memref<2x10240xi32, #tpu.memory_space<vmem>>, %arg6: memref<10000xf32, #tpu.memory_space<vmem>>, %arg7: memref<10000xf32, #tpu.memory_space<vmem>>, %arg8: memref<!tpu.dma_semaphore, #tpu.memory_space<semaphore_mem>>) attributes {dimension_semantics = [#tpu.dimension_semantics<core_parallel>, #tpu.dimension_semantics<subcore_parallel>], iteration_bounds = array<i64: 2, 16>, scalar_prefetch = 0 : i64, scratch_operands = 4 : i64, tpu.core_type = #tpu.core_type<sc_vector_subcore>, window_params = [{transform_indices = #map}, {transform_indices = #map}, {transform_indices = #map}]} {
    %mul3A = arith.constant 2 : i32
    %mul3A_0 = arith.muli %arg1, %mul3A : i32
    %add3A = arith.addi %mul3A_0, %arg0 : i32
    %eq3A = arith.constant 31 : i32
    %eq3A_1 = arith.cmpi eq, %add3A, %eq3A : i32
    %mul3A_2 = arith.constant 10240 : i32
    %mul3A_3 = arith.muli %add3A, %mul3A_2 : i32
    %jit3A = arith.constant 309760 : i32
    %select_n3A = arith.select %eq3A_1, %jit3A, %mul3A_3 : i32
    %multiple_of3A = tpu.assume_multiple %select_n3A, 128 : i32
    %eq3A_4 = arith.constant 31 : i32
    %eq3A_5 = arith.cmpi eq, %add3A, %eq3A_4 : i32
    %jit3A_6 = arith.constant 7680 : i32
    %jit3A_7 = arith.constant 0 : i32
    %select_n3A_8 = arith.select %eq3A_5, %jit3A_6, %jit3A_7 : i32
    %dma_start3A = arith.constant 0 : i32
    %dma_start3A_9 = tpu.memref_slice %arg2[%dma_start3A, %multiple_of3A] : memref<2x320000xi32, #tpu.memory_space<hbm>> -> memref<2x10240xi32, #tpu.memory_space<hbm>>
    %dma_start3A_10 = arith.constant 0 : i32
    %dma_start3A_11 = tpu.memref_slice %arg2[%dma_start3A_10, %multiple_of3A] : memref<2x320000xi32, #tpu.memory_space<hbm>> -> memref<2x10240xi32, #tpu.memory_space<hbm>>
    tpu.enqueue_dma source(%dma_start3A_11 : memref<2x10240xi32, #tpu.memory_space<hbm>>) target(%arg5 : memref<2x10240xi32, #tpu.memory_space<vmem>>) target_semaphore(%arg8 : memref<!tpu.dma_semaphore, #tpu.memory_space<semaphore_mem>>)
    %dma_start3A_12 = arith.constant 0 : i32
    %dma_start3A_13 = arith.constant 0 : i32
    %dma_start3A_14 = tpu.memref_slice %arg3[%dma_start3A_12, %dma_start3A_13] : memref<1x10000xf32, #tpu.memory_space<hbm>> -> memref<1x10000xf32, #tpu.memory_space<hbm>>
    %dma_start3A_15 = tpu.memref_squeeze %dma_start3A_14 : memref<1x10000xf32, #tpu.memory_space<hbm>> -> memref<10000xf32, #tpu.memory_space<hbm>>
    %dma_start3A_16 = arith.constant 0 : i32
    %dma_start3A_17 = tpu.memref_slice %arg3[%dma_start3A_12, %dma_start3A_16] : memref<1x10000xf32, #tpu.memory_space<hbm>> -> memref<1x10000xf32, #tpu.memory_space<hbm>>
    %dma_start3A_18 = tpu.memref_squeeze %dma_start3A_17 : memref<1x10000xf32, #tpu.memory_space<hbm>> -> memref<10000xf32, #tpu.memory_space<hbm>>
    tpu.enqueue_dma source(%dma_start3A_18 : memref<10000xf32, #tpu.memory_space<hbm>>) target(%arg6 : memref<10000xf32, #tpu.memory_space<vmem>>) target_semaphore(%arg8 : memref<!tpu.dma_semaphore, #tpu.memory_space<semaphore_mem>>)
    %broadcast_in_dim3A = arith.constant 0.000000e+00 : f32
    %broadcast_in_dim3A_19 = vector.broadcast %broadcast_in_dim3A : f32 to vector<16xf32>
    %parallel_loop3A = arith.constant 0 : i32
    %parallel_loop3A_20 = arith.constant 625 : i32
    %parallel_loop3A_21 = arith.constant 1 : i32
    scf.for %parallel_loop3A_35 = %parallel_loop3A to %parallel_loop3A_20 step %parallel_loop3A_21  : i32 {
      %parallel_loop3A_36 = arith.constant 16 : i32
      %parallel_loop3A_37 = arith.muli %parallel_loop3A_35, %parallel_loop3A_36 : i32
      %parallel_loop3A_38 = arith.index_cast %parallel_loop3A_37 : i32 to index
      %parallel_loop3A_39 = tpu.vector_load %arg7[%parallel_loop3A_38] {strides = array<i32>} : memref<10000xf32, #tpu.memory_space<vmem>>, vector<16xf32>,
      tpu.vector_store %arg7[%parallel_loop3A_38], %broadcast_in_dim3A_19 {strides = array<i32>} : memref<10000xf32, #tpu.memory_space<vmem>>, vector<16xf32>,
    } {sc.loop_unroll_factor = 4 : i64, sc.parallel_access}
    %dma_wait3A = arith.constant 0 : i32
    %dma_wait3A_22 = tpu.memref_slice %arg2[%dma_wait3A, %multiple_of3A] : memref<2x320000xi32, #tpu.memory_space<hbm>> -> memref<2x10240xi32, #tpu.memory_space<hbm>>
    %dma_wait3A_23 = arith.constant 0 : i32
    %dma_wait3A_24 = tpu.memref_slice %arg2[%dma_wait3A_23, %multiple_of3A] : memref<2x320000xi32, #tpu.memory_space<hbm>> -> memref<2x10240xi32, #tpu.memory_space<hbm>>
    tpu.wait_dma2 semaphore(%arg8 : memref<!tpu.dma_semaphore, #tpu.memory_space<semaphore_mem>>) src(%dma_wait3A_24 : memref<2x10240xi32, #tpu.memory_space<hbm>>) dst(%arg5 : memref<2x10240xi32, #tpu.memory_space<vmem>>)
    %dma_wait3A_25 = arith.constant 0 : i32
    %dma_wait3A_26 = arith.constant 0 : i32
    %dma_wait3A_27 = tpu.memref_slice %arg3[%dma_wait3A_25, %dma_wait3A_26] : memref<1x10000xf32, #tpu.memory_space<hbm>> -> memref<1x10000xf32, #tpu.memory_space<hbm>>
    %dma_wait3A_28 = tpu.memref_squeeze %dma_wait3A_27 : memref<1x10000xf32, #tpu.memory_space<hbm>> -> memref<10000xf32, #tpu.memory_space<hbm>>
    %dma_wait3A_29 = arith.constant 0 : i32
    %dma_wait3A_30 = tpu.memref_slice %arg3[%dma_wait3A_25, %dma_wait3A_29] : memref<1x10000xf32, #tpu.memory_space<hbm>> -> memref<1x10000xf32, #tpu.memory_space<hbm>>
    %dma_wait3A_31 = tpu.memref_squeeze %dma_wait3A_30 : memref<1x10000xf32, #tpu.memory_space<hbm>> -> memref<10000xf32, #tpu.memory_space<hbm>>
    tpu.wait_dma2 semaphore(%arg8 : memref<!tpu.dma_semaphore, #tpu.memory_space<semaphore_mem>>) src(%dma_wait3A_31 : memref<10000xf32, #tpu.memory_space<hbm>>) dst(%arg6 : memref<10000xf32, #tpu.memory_space<vmem>>)
    %iota3A = tpu.iota {dimensions = array<i32: 0>} : vector<16xi32>
    %parallel_loop3A_32 = arith.constant 0 : i32
    %parallel_loop3A_33 = arith.constant 640 : i32
    %parallel_loop3A_34 = arith.constant 1 : i32
    scf.for %parallel_loop3A_35 = %parallel_loop3A_32 to %parallel_loop3A_33 step %parallel_loop3A_34  : i32 {
      %parallel_loop3A_36 = arith.constant 16 : i32
      %parallel_loop3A_37 = arith.muli %parallel_loop3A_35, %parallel_loop3A_36 : i32
      %parallel_loop3A_38 = vector.broadcast %parallel_loop3A_37 : i32 to vector<16xi32>
      %parallel_loop3A_39 = arith.addi %parallel_loop3A_38, %iota3A : vector<16xi32>
      %parallel_loop3A_40 = vector.broadcast %select_n3A_8 : i32 to vector<16xi32>
      %parallel_loop3A_41 = arith.cmpi sge, %parallel_loop3A_39, %parallel_loop3A_40 : vector<16xi32>
      %parallel_loop3A_42 = arith.constant 16 : i32
      %parallel_loop3A_43 = arith.muli %parallel_loop3A_35, %parallel_loop3A_42 : i32
      %parallel_loop3A_44 = arith.constant 0 : i32
      %parallel_loop3A_45 = arith.index_cast %parallel_loop3A_44 : i32 to index
      %parallel_loop3A_46 = arith.index_cast %parallel_loop3A_43 : i32 to index
      %parallel_loop3A_47 = tpu.vector_load %arg5[%parallel_loop3A_45, %parallel_loop3A_46] {strides = array<i32>} : memref<2x10240xi32, #tpu.memory_space<vmem>>, vector<16xi32>,
      %parallel_loop3A_48 = arith.constant 16 : i32
      %parallel_loop3A_49 = arith.muli %parallel_loop3A_35, %parallel_loop3A_48 : i32
      %parallel_loop3A_50 = arith.constant 1 : i32
      %parallel_loop3A_51 = arith.index_cast %parallel_loop3A_50 : i32 to index
      %parallel_loop3A_52 = arith.index_cast %parallel_loop3A_49 : i32 to index
      %parallel_loop3A_53 = tpu.vector_load %arg5[%parallel_loop3A_51, %parallel_loop3A_52] {strides = array<i32>} : memref<2x10240xi32, #tpu.memory_space<vmem>>, vector<16xi32>,
      %parallel_loop3A_54 = tpu.vector_load_idx %arg6[%parallel_loop3A_47] masked %parallel_loop3A_41 : memref<10000xf32, #tpu.memory_space<vmem>>[vector<16xi32>], vector<16xf32>, vector<16xi1>
      tpu.vector_store_idx %arg7[%parallel_loop3A_53], %parallel_loop3A_54 masked %parallel_loop3A_41 {add = true} : memref<10000xf32, #tpu.memory_space<vmem>>[vector<16xi32>], vector<16xf32>, vector<16xi1>
    } {sc.loop_unroll_factor = 4 : i64, sc.parallel_access}
    "tpu.region"() ({
      %run_scoped3A = tpu.sem_alloc : memref<!tpu.dma_semaphore, #tpu.memory_space<semaphore_mem>>
      %dma_start3A_35 = arith.constant 0 : i32
      %dma_start3A_36 = tpu.memref_slice %arg4[%add3A, %dma_start3A_35] : memref<32x10000xf32, #tpu.memory_space<hbm>> -> memref<1x10000xf32, #tpu.memory_space<hbm>>
      %dma_start3A_37 = tpu.memref_squeeze %dma_start3A_36 : memref<1x10000xf32, #tpu.memory_space<hbm>> -> memref<10000xf32, #tpu.memory_space<hbm>>
      %dma_start3A_38 = arith.constant 0 : i32
      %dma_start3A_39 = tpu.memref_slice %arg4[%add3A, %dma_start3A_38] : memref<32x10000xf32, #tpu.memory_space<hbm>> -> memref<1x10000xf32, #tpu.memory_space<hbm>>
      %dma_start3A_40 = tpu.memref_squeeze %dma_start3A_39 : memref<1x10000xf32, #tpu.memory_space<hbm>> -> memref<10000xf32, #tpu.memory_space<hbm>>
      tpu.enqueue_dma source(%arg7 : memref<10000xf32, #tpu.memory_space<vmem>>) target(%dma_start3A_40 : memref<10000xf32, #tpu.memory_space<hbm>>) target_semaphore(%run_scoped3A : memref<!tpu.dma_semaphore, #tpu.memory_space<semaphore_mem>>)
      %dma_wait3A_41 = arith.constant 0 : i32
      %dma_wait3A_42 = tpu.memref_slice %arg4[%add3A, %dma_wait3A_41] : memref<32x10000xf32, #tpu.memory_space<hbm>> -> memref<1x10000xf32, #tpu.memory_space<hbm>>
      %dma_wait3A_43 = tpu.memref_squeeze %dma_wait3A_42 : memref<1x10000xf32, #tpu.memory_space<hbm>> -> memref<10000xf32, #tpu.memory_space<hbm>>
      %dma_wait3A_44 = arith.constant 0 : i32
      %dma_wait3A_45 = tpu.memref_slice %arg4[%add3A, %dma_wait3A_44] : memref<32x10000xf32, #tpu.memory_space<hbm>> -> memref<1x10000xf32, #tpu.memory_space<hbm>>
      %dma_wait3A_46 = tpu.memref_squeeze %dma_wait3A_45 : memref<1x10000xf32, #tpu.memory_space<hbm>> -> memref<10000xf32, #tpu.memory_space<hbm>>
      tpu.wait_dma2 semaphore(%run_scoped3A : memref<!tpu.dma_semaphore, #tpu.memory_space<semaphore_mem>>) src(%arg7 : memref<10000xf32, #tpu.memory_space<vmem>>) dst(%dma_wait3A_46 : memref<10000xf32, #tpu.memory_space<hbm>>)
      tpu.yield
    }) : () -> ()
    return
  }
}

module attributes {stable_mosaic.version = 14 : i64} {
  func.func @_fin_body(%arg0: memref<32x10000xf32, #tpu.memory_space<vmem>>, %arg1: memref<1x10000xf32, #tpu.memory_space<vmem>>, %arg2: memref<1x10000xf32, #tpu.memory_space<vmem>>, %arg3: memref<1x1xf32, #tpu.memory_space<vmem>>, %arg4: memref<1x10000xf32, #tpu.memory_space<vmem>>, %arg5: memref<1x1xi32, #tpu.memory_space<vmem>>, %arg6: memref<1x1xf32, #tpu.memory_space<vmem>>) attributes {dimension_semantics = [], scalar_prefetch = 0 : i64, scratch_operands = 0 : i64, tpu.core_type = #tpu.core_type<tc>} {
    %get3A = arith.constant 0 : index
    %get3A_0 = arith.constant 0 : index
    %get3A_1 = vector.load %arg0[%get3A, %get3A_0] : memref<32x10000xf32, #tpu.memory_space<vmem>>, vector<32x10000xf32>
    %reduce_sum3A = arith.constant dense<0.000000e+00> : vector<10000xf32>
    %reduce_sum3A_2 = vector.multi_reduction <add>, %get3A_1, %reduce_sum3A [0] : vector<32x10000xf32> to vector<10000xf32>
    %broadcast_in_dim3A = vector.shape_cast %reduce_sum3A_2 : vector<10000xf32> to vector<1x10000xf32>
    %get3A_3 = arith.constant 0 : index
    %get3A_4 = arith.constant 0 : index
    %get3A_5 = vector.load %arg1[%get3A_3, %get3A_4] : memref<1x10000xf32, #tpu.memory_space<vmem>>, vector<1x10000xf32>
    %mul3A = arith.mulf %get3A_5, %broadcast_in_dim3A : vector<1x10000xf32>
    %get3A_6 = arith.constant 0 : index
    %get3A_7 = arith.constant 0 : index
    %get3A_8 = vector.load %arg2[%get3A_6, %get3A_7] : memref<1x10000xf32, #tpu.memory_space<vmem>>, vector<1x10000xf32>
    %add3A = arith.addf %mul3A, %get3A_8 : vector<1x10000xf32>
    %get3A_9 = arith.constant 0 : index
    %get3A_10 = arith.constant 0 : index
    %get3A_11 = vector.load %arg3[%get3A_9, %get3A_10] : memref<1x1xf32, #tpu.memory_space<vmem>>, vector<1x1xf32>
    %get3A_12 = vector.extract %get3A_11[0, 0] : f32 from vector<1x1xf32>
    %add3A_13 = vector.broadcast %get3A_12 : f32 to vector<1x10000xf32>
    %add3A_14 = arith.addf %add3A, %add3A_13 : vector<1x10000xf32>
    %reduce_max3A = vector.shape_cast %add3A_14 : vector<1x10000xf32> to vector<1x1x10000xf32>
    %reduce_max3A_15 = arith.constant dense<0xFF800000> : vector<1xf32>
    %reduce_max3A_16 = vector.multi_reduction <maximumf>, %reduce_max3A, %reduce_max3A_15 [1, 2] : vector<1x1x10000xf32> to vector<1xf32>
    %reduce_max3A_17 = vector.shape_cast %reduce_max3A_16 : vector<1xf32> to vector<1x1x1xf32>
    %reduce_max3A_18 = vector.extract %reduce_max3A_17[0, 0, 0] : f32 from vector<1x1x1xf32>
    %sub3A = vector.broadcast %reduce_max3A_18 : f32 to vector<1x10000xf32>
    %sub3A_19 = arith.subf %add3A_14, %sub3A : vector<1x10000xf32>
    %exp3A = math.exp %sub3A_19 : vector<1x10000xf32>
    %reduce_sum3A_20 = vector.shape_cast %exp3A : vector<1x10000xf32> to vector<1x1x10000xf32>
    %reduce_sum3A_21 = arith.constant dense<0.000000e+00> : vector<1xf32>
    %reduce_sum3A_22 = vector.multi_reduction <add>, %reduce_sum3A_20, %reduce_sum3A_21 [1, 2] : vector<1x1x10000xf32> to vector<1xf32>
    %reduce_sum3A_23 = vector.shape_cast %reduce_sum3A_22 : vector<1xf32> to vector<1x1x1xf32>
    %reduce_sum3A_24 = vector.extract %reduce_sum3A_23[0, 0, 0] : f32 from vector<1x1x1xf32>
    %get3A_25 = arith.constant 0 : index
    %get3A_26 = arith.constant 0 : index
    %get3A_27 = vector.load %arg4[%get3A_25, %get3A_26] : memref<1x10000xf32, #tpu.memory_space<vmem>>, vector<1x10000xf32>
    %add3A_28 = arith.addf %add3A_14, %get3A_27 : vector<1x10000xf32>
    %reduce_max3A_29 = vector.shape_cast %add3A_28 : vector<1x10000xf32> to vector<1x1x10000xf32>
    %reduce_max3A_30 = arith.constant dense<0xFF800000> : vector<1xf32>
    %reduce_max3A_31 = vector.multi_reduction <maximumf>, %reduce_max3A_29, %reduce_max3A_30 [1, 2] : vector<1x1x10000xf32> to vector<1xf32>
    %reduce_max3A_32 = vector.shape_cast %reduce_max3A_31 : vector<1xf32> to vector<1x1x1xf32>
    %reduce_max3A_33 = vector.extract %reduce_max3A_32[0, 0, 0] : f32 from vector<1x1x1xf32>
    %iota3A = tpu.iota {dimensions = array<i32: 1>} : vector<1x10000xi32>
    %eq3A = vector.broadcast %reduce_max3A_33 : f32 to vector<1x10000xf32>
    %eq3A_34 = arith.cmpf oeq, %add3A_28, %eq3A : vector<1x10000xf32>
    %jit3A = arith.constant 10000 : i32
    %broadcast_in_dim3A_35 = vector.broadcast %jit3A : i32 to vector<1x10000xi32>
    %select_n3A = arith.select %eq3A_34, %iota3A, %broadcast_in_dim3A_35 : vector<1x10000xi1>, vector<1x10000xi32>
    %reduce_min3A = vector.shape_cast %select_n3A : vector<1x10000xi32> to vector<1x1x10000xi32>
    %reduce_min3A_36 = arith.constant dense<2147483647> : vector<1xi32>
    %reduce_min3A_37 = vector.multi_reduction <minsi>, %reduce_min3A, %reduce_min3A_36 [1, 2] : vector<1x1x10000xi32> to vector<1xi32>
    %reduce_min3A_38 = vector.shape_cast %reduce_min3A_37 : vector<1xi32> to vector<1x1x1xi32>
    %reduce_min3A_39 = vector.extract %reduce_min3A_38[0, 0, 0] : i32 from vector<1x1x1xi32>
    %reshape3A = vector.broadcast %reduce_min3A_39 : i32 to vector<1x1xi32>
    %swap3A = arith.constant 0 : index
    %swap3A_40 = arith.constant 0 : index
    %swap3A_41 = vector.load %arg5[%swap3A, %swap3A_40] : memref<1x1xi32, #tpu.memory_space<vmem>>, vector<1x1xi32>
    tpu.vector_store %arg5[%swap3A, %swap3A_40], %reshape3A {strides = array<i32>} : memref<1x1xi32, #tpu.memory_space<vmem>>, vector<1x1xi32>,
    %eq3A_42 = vector.broadcast %reduce_min3A_39 : i32 to vector<1x10000xi32>
    %eq3A_43 = arith.cmpi eq, %iota3A, %eq3A_42 : vector<1x10000xi32>
    %jit3A_44 = arith.constant 0.000000e+00 : f32
    %broadcast_in_dim3A_45 = vector.broadcast %jit3A_44 : f32 to vector<1x10000xf32>
    %select_n3A_46 = arith.select %eq3A_43, %add3A_14, %broadcast_in_dim3A_45 : vector<1x10000xi1>, vector<1x10000xf32>
    %reduce_sum3A_47 = vector.shape_cast %select_n3A_46 : vector<1x10000xf32> to vector<1x1x10000xf32>
    %reduce_sum3A_48 = arith.constant dense<0.000000e+00> : vector<1xf32>
    %reduce_sum3A_49 = vector.multi_reduction <add>, %reduce_sum3A_47, %reduce_sum3A_48 [1, 2] : vector<1x1x10000xf32> to vector<1xf32>
    %reduce_sum3A_50 = vector.shape_cast %reduce_sum3A_49 : vector<1xf32> to vector<1x1x1xf32>
    %reduce_sum3A_51 = vector.extract %reduce_sum3A_50[0, 0, 0] : f32 from vector<1x1x1xf32>
    %sub3A_52 = arith.subf %reduce_sum3A_51, %reduce_max3A_18 : f32
    %log3A = math.log %reduce_sum3A_24 : f32
    %sub3A_53 = arith.subf %sub3A_52, %log3A : f32
    %reshape3A_54 = vector.broadcast %sub3A_53 : f32 to vector<1x1xf32>
    %swap3A_55 = arith.constant 0 : index
    %swap3A_56 = arith.constant 0 : index
    %swap3A_57 = vector.load %arg6[%swap3A_55, %swap3A_56] : memref<1x1xf32, #tpu.memory_space<vmem>>, vector<1x1xf32>
    tpu.vector_store %arg6[%swap3A_55, %swap3A_56], %reshape3A_54 {strides = array<i32>} : memref<1x1xf32, #tpu.memory_space<vmem>>, vector<1x1xf32>,
    return
  }
}

module attributes {stable_mosaic.version = 14 : i64} {
  func.func @_norm_body(%arg0: memref<32x10000xf32, #tpu.memory_space<vmem>>, %arg1: memref<1x10000xf32, #tpu.memory_space<vmem>>, %arg2: memref<1x10000xf32, #tpu.memory_space<vmem>>, %arg3: memref<1x10000xf32, #tpu.memory_space<vmem>>) attributes {dimension_semantics = [], scalar_prefetch = 0 : i64, scratch_operands = 0 : i64, tpu.core_type = #tpu.core_type<tc>} {
    %get3A = arith.constant 0 : index
    %get3A_0 = arith.constant 0 : index
    %get3A_1 = vector.load %arg0[%get3A, %get3A_0] : memref<32x10000xf32, #tpu.memory_space<vmem>>, vector<32x10000xf32>
    %reduce_sum3A = arith.constant dense<0.000000e+00> : vector<10000xf32>
    %reduce_sum3A_2 = vector.multi_reduction <add>, %get3A_1, %reduce_sum3A [0] : vector<32x10000xf32> to vector<10000xf32>
    %broadcast_in_dim3A = vector.shape_cast %reduce_sum3A_2 : vector<10000xf32> to vector<1x10000xf32>
    %jit3A = arith.constant 1.000000e+00 : f32
    %max3A = vector.broadcast %jit3A : f32 to vector<1x10000xf32>
    %max3A_3 = arith.maximumf %max3A, %broadcast_in_dim3A : vector<1x10000xf32>
    %sqrt3A = math.sqrt %max3A_3 : vector<1x10000xf32>
    %div3A = arith.constant 1.000000e+00 : f32
    %div3A_4 = vector.broadcast %div3A : f32 to vector<1x10000xf32>
    %div3A_5 = arith.divf %div3A_4, %sqrt3A : vector<1x10000xf32>
    %swap3A = arith.constant 0 : index
    %swap3A_6 = arith.constant 0 : index
    %swap3A_7 = vector.load %arg3[%swap3A, %swap3A_6] : memref<1x10000xf32, #tpu.memory_space<vmem>>, vector<1x10000xf32>
    tpu.vector_store %arg3[%swap3A, %swap3A_6], %div3A_5 {strides = array<i32>} : memref<1x10000xf32, #tpu.memory_space<vmem>>, vector<1x10000xf32>,
    %get3A_8 = arith.constant 0 : index
    %get3A_9 = arith.constant 0 : index
    %get3A_10 = vector.load %arg1[%get3A_8, %get3A_9] : memref<1x10000xf32, #tpu.memory_space<vmem>>, vector<1x10000xf32>
    %mul3A = arith.mulf %get3A_10, %div3A_5 : vector<1x10000xf32>
    %swap3A_11 = arith.constant 0 : index
    %swap3A_12 = arith.constant 0 : index
    %swap3A_13 = vector.load %arg2[%swap3A_11, %swap3A_12] : memref<1x10000xf32, #tpu.memory_space<vmem>>, vector<1x10000xf32>
    tpu.vector_store %arg2[%swap3A_11, %swap3A_12], %mul3A {strides = array<i32>} : memref<1x10000xf32, #tpu.memory_space<vmem>>, vector<1x10000xf32>,
    return
  }
}

module attributes {stable_mosaic.version = 14 : i64} {
  func.func @_mm_body(%arg0: memref<10000x128xf32, #tpu.memory_space<vmem>>, %arg1: memref<128x1xf32, #tpu.memory_space<vmem>>, %arg2: memref<128x1xf32, #tpu.memory_space<vmem>>, %arg3: memref<1x10000xf32, #tpu.memory_space<vmem>>, %arg4: memref<1x10000xf32, #tpu.memory_space<vmem>>) attributes {dimension_semantics = [], scalar_prefetch = 0 : i64, scratch_operands = 0 : i64, tpu.core_type = #tpu.core_type<tc>} {
    %get3A = arith.constant 0 : index
    %get3A_0 = arith.constant 0 : index
    %get3A_1 = vector.load %arg1[%get3A, %get3A_0] : memref<128x1xf32, #tpu.memory_space<vmem>>, vector<128x1xf32>
    %get3A_2 = arith.constant 0 : index
    %get3A_3 = arith.constant 0 : index
    %get3A_4 = vector.load %arg2[%get3A_2, %get3A_3] : memref<128x1xf32, #tpu.memory_space<vmem>>, vector<128x1xf32>
    %concatenate3A = tpu.concatenate %get3A_1, %get3A_4 in 1 : vector<128x1xf32>, vector<128x1xf32> -> vector<128x2xf32>
    %get3A_5 = arith.constant 0 : index
    %get3A_6 = arith.constant 0 : index
    %get3A_7 = vector.load %arg0[%get3A_5, %get3A_6] : memref<10000x128xf32, #tpu.memory_space<vmem>>, vector<10000x128xf32>
    %dot_general3A = arith.constant dense<0.000000e+00> : vector<2x10000xf32>
    %dot_general3A_8 = tpu.matmul %concatenate3A, %get3A_7, %dot_general3A {dimension_numbers = #tpu.dot_dimension_numbers<[0], [1], [1], [0], [0, 1, 1, 0], [], []>, transpose_lhs_hint = false} : vector<128x2xf32>, vector<10000x128xf32>, vector<2x10000xf32> -> vector<2x10000xf32>
    %slice3A = vector.extract_strided_slice %dot_general3A_8 {offsets = [0, 0], sizes = [1, 10000], strides = [1, 1]} : vector<2x10000xf32> to vector<1x10000xf32>
    %swap3A = arith.constant 0 : index
    %swap3A_9 = arith.constant 0 : index
    %swap3A_10 = vector.load %arg3[%swap3A, %swap3A_9] : memref<1x10000xf32, #tpu.memory_space<vmem>>, vector<1x10000xf32>
    tpu.vector_store %arg3[%swap3A, %swap3A_9], %slice3A {strides = array<i32>} : memref<1x10000xf32, #tpu.memory_space<vmem>>, vector<1x10000xf32>,
    %slice3A_11 = vector.extract_strided_slice %dot_general3A_8 {offsets = [1, 0], sizes = [1, 10000], strides = [1, 1]} : vector<2x10000xf32> to vector<1x10000xf32>
    %swap3A_12 = arith.constant 0 : index
    %swap3A_13 = arith.constant 0 : index
    %swap3A_14 = vector.load %arg4[%swap3A_12, %swap3A_13] : memref<1x10000xf32, #tpu.memory_space<vmem>>, vector<1x10000xf32>
    tpu.vector_store %arg4[%swap3A_12, %swap3A_13], %slice3A_11 {strides = array<i32>} : memref<1x10000xf32, #tpu.memory_space<vmem>>, vector<1x10000xf32>,
    return
  }
}

</mosaic_0001>

<sc_bundles>
// kernel: kernel.6.cloned.1.call-start
scs
__scs_entry_jumppad:
0x0: {  	(pc) =	sbr.rel $0x88, $3  }
0x1: {  	(tag) =	ssettag $0x0;
	lr =	simm.s32 $0x1  }
0x2: {  	[smem:$0x3F9C] =	sst lr;
	_ =	strace $0xD0000000  }
0x3: {  	_ = 	snop  }
0x4: {  	_ = 	snop  }
0x5: {  	_ = 	snop  }
0x6: {  	_ = 	snop  }
0x7: {  	_ = 	snop  }
__scs_overlays_trampoline_lowered:
0x8: {  	[smem:$0x3FAB] =	sst s0  }
0x9: {  	[smem:$0x3FAC] =	sst s1  }
0xa: {  	[smem:$0x3FAD] =	sst s2  }
0xb: {  	[smem:$0x3FAE] =	sst s3  }
0xc: {  	[smem:$0x3FAF] =	sst s4  }
0xd: {  	[smem:$0x3FB0] =	sst s5  }
0xe: {  	[smem:$0x3FB1] =	sst s6  }
0xf: {  	[smem:$0x3FB2] =	sst s7  }
0x10: {  	[smem:$0x3FB3] =	sst s8  }
0x11: {  	[smem:$0x3FB4] =	sst s9;
	s0 =	simm.s32 @!p0 $0x0  }
0x12: {  	s1 =	sld [smem:$0x3F9A];
	s0 =	simm.s32 @p0 $0x1  }
0x13: {  	[smem:$0x3FB5] =	sst s0;
	s0 =	simm.s32 @!p1 $0x0  }
0x14: {  	s2 =	sld [smem:$0x3F99];
	s0 =	simm.s32 @p1 $0x1  }
0x15: {  	[smem:$0x3FB6] =	sst s0;
	s0 =	simm.s32 @!p2 $0x0  }
0x16: {  	s3 =	sld [smem:$0x3FDB];
	s0 =	simm.s32 @p2 $0x1  }
0x17: {  	s4 =	simm.s32 $0x1BF5;
	[smem:$0x3FB8] =	sst s0  }
0x18: {  	s0 =	sld [smem:$0x3F9B];
	_ =	swait.ge [sflag:s4], $0x0  }
0x19: {  	s7 =	sld [smem:$0x3F9C]  }
0x1a: {  	s8 =	sadd.s32 $0xFFFFE003, lr  }
0x1b: {  	s9 =	sadd.s32 $0xFFFFFEF7, lr;
	s5 =	simm.s32 $0xFFFFFFFF;
	p2 =	slt.u32 s8, $0xFFFFF086  }
0x1c: {  	p1 =	slt.u32 s9, $0xF7A;
	s5 =	simm.s32 @!p2 $0x0  }
0x1d: {  	s5 =	simm.s32 @p1 $0x1;
	p0 =	seq.s32 s7, s2  }
0x1e: {  	s7 =	smul.u32 @!p0 $0xF7A, s2;
	p2 =	seq.s32 @!p0 s5, $0x0  }
0x1f: {  	s9 =	smul.u32 $0xF7A, s1;
	s8 =	simm.s32 @!p0 $0x1BF5;
	p2 =	por !p2, p0  }
0x20: {  	[sflag:s8] =	ssyncset.s32 @!p0 $0xFFFFF086;
	s6 =	sadd.s32 @!p0 s3, s7;
	s7 =	simm.s32 @!p0 $0x108  }
0x21: {  	s3 =	sadd.s32 s3, s9;
	s6 =	sadd.s32 @!p0 $0x88, s6;
	s7 =	simm.s32 @p2 $0x1082  }
0x22: {  	[simem:s7], [sflag:s8] =	dma.local @!p0 [hbm:s6], $0xF7A  }
0x23: {  	s9 =	sor.u32 $0xD0000000, s2;
	s6 =	simm.s32 $0x108;
	_ =	swait.ge @!p0 [sflag:s8], $0x0  }
0x24: {  	s3 =	sadd.s32 $0x88, s3;
	s6 =	simm.s32 @!p1 $0x1082;
	[sflag:s4] =	ssyncset.s32 $0xFFFFF086  }
0x25: {  	[simem:s6], [sflag:s4] =	dma.local [hbm:s3], $0xF7A  }
0x26: {  	[smem:$0x3F9C] =	sst s1;
	(tag) =	ssettag s2;
	_ =	strace s9  }
0x27: {  	s1 =	sld [smem:$0x3FAC]  }
0x28: {  	s2 =	sld [smem:$0x3FAD]  }
0x29: {  	s4 =	sld [smem:$0x3FAF]  }
0x2a: {  	p0 =	seq.s32 s5, $0x0;
	s5 =	sld [smem:$0x3FB0]  }
0x2b: {  	s6 =	sld [smem:$0x3FB1]  }
0x2c: {  	s7 =	sld [smem:$0x3FB2]  }
0x2d: {  	s3 =	simm.s32 $0x108;
	s8 =	sld [smem:$0x3FB3]  }
0x2e: {  	s3 =	simm.s32 @!p0 $0x1082;
	s9 =	sld [smem:$0x3FB4]  }
0x2f: {  	lr =	sadd.s32 s0, s3;
	s0 =	sld [smem:$0x3FAB]  }
0x30: {  	s3 =	sld [smem:$0x3FAE]  }
0x31: {  	[smem:$0x3FB7] =	sst s10  }
0x32: {  	s10 =	sld [smem:$0x3FB5];
	_ =	sdelay $0x3  }
0x33: {  	p0 =	seq.s32 s10, $0x1;
	s10 =	sld [smem:$0x3FB7];
	_ =	sdelay $0x3  }
0x34: {  	[smem:$0x3FB7] =	sst s10  }
0x35: {  	s10 =	sld [smem:$0x3FB6];
	_ =	sdelay $0x3  }
0x36: {  	p1 =	seq.s32 s10, $0x1;
	s10 =	sld [smem:$0x3FB7];
	_ =	sdelay $0x3  }
0x37: {  	[smem:$0x3FB7] =	sst s10  }
0x38: {  	s10 =	sld [smem:$0x3FB8]  }
0x39: {  	_ = 	snop;
	(pc) =	sbr.ind lr, $3  }
0x3a: {  	_ = 	snop  }
0x3b: {  	_ = 	snop  }
0x3c: {  	p2 =	seq.s32 s10, $0x1;
	s10 =	sld [smem:$0x3FB7]  }
0x3d: {  	_ =	shalt  }
0x3e: {  	_ =	shalt  }
0x3f: {  	_ =	shalt  }
0x40: {  	_ =	shalt  }
0x41: {  	_ =	shalt  }
0x42: {  	_ =	shalt  }
0x43: {  	_ =	shalt  }
0x44: {  	_ =	shalt  }
0x45: {  	_ =	shalt  }
0x46: {  	_ =	shalt  }
0x47: {  	_ =	shalt  }
0x48: {  	_ =	shalt  }
0x49: {  	_ =	shalt  }
0x4a: {  	_ =	shalt  }
0x4b: {  	_ =	shalt  }
0x4c: {  	_ =	shalt  }
0x4d: {  	_ =	shalt  }
0x4e: {  	_ =	shalt  }
0x4f: {  	_ =	shalt  }
0x50: {  	_ =	shalt  }
0x51: {  	_ =	shalt  }
0x52: {  	_ =	shalt  }
0x53: {  	_ =	shalt  }
0x54: {  	_ =	shalt  }
0x55: {  	_ =	shalt  }
0x56: {  	_ =	shalt  }
0x57: {  	_ =	shalt  }
0x58: {  	_ =	shalt  }
0x59: {  	_ =	shalt  }
0x5a: {  	_ =	shalt  }
0x5b: {  	_ =	shalt  }
0x5c: {  	_ =	shalt  }
0x5d: {  	_ =	shalt  }
0x5e: {  	_ =	shalt  }
0x5f: {  	_ =	shalt  }
0x60: {  	_ =	shalt  }
0x61: {  	_ =	shalt  }
0x62: {  	_ =	shalt  }
0x63: {  	_ =	shalt  }
0x64: {  	_ =	shalt  }
0x65: {  	_ =	shalt  }
0x66: {  	_ =	shalt  }
0x67: {  	_ =	shalt  }
0x68: {  	_ =	shalt  }
0x69: {  	_ =	shalt  }
0x6a: {  	_ =	shalt  }
0x6b: {  	_ =	shalt  }
0x6c: {  	_ =	shalt  }
0x6d: {  	_ =	shalt  }
0x6e: {  	_ =	shalt  }
0x6f: {  	_ =	shalt  }
0x70: {  	_ =	shalt  }
0x71: {  	_ =	shalt  }
0x72: {  	_ =	shalt  }
0x73: {  	_ =	shalt  }
0x74: {  	_ =	shalt  }
0x75: {  	_ =	shalt  }
0x76: {  	_ =	shalt  }
0x77: {  	_ =	shalt  }
0x78: {  	_ =	shalt  }
0x79: {  	_ =	shalt  }
0x7a: {  	_ =	shalt  }
0x7b: {  	_ =	shalt  }
0x7c: {  	_ =	shalt  }
0x7d: {  	_ =	shalt  }
0x7e: {  	_ =	shalt  }
0x7f: {  	_ =	shalt  }
0x80: {  	_ =	shalt  }
0x81: {  	_ =	shalt  }
0x82: {  	_ =	shalt  }
0x83: {  	_ =	shalt  }
0x84: {  	_ =	shalt  }
0x85: {  	_ =	shalt  }
0x86: {  	_ =	shalt  }
0x87: {  	_ =	shalt  }
.Lfunc_end0:
.L_simem_size_0:
called_computation.1_lowered:
.L_overlay_start_0:
0x88: {  	s2 =	sld [smem:$0x3FD9]  }
0x89: {  	s3 =	sld [smem:$0x3FFE];
	_ =	sdelay $0x1  }
0x8a: {  	s1 =	srdreg.scid  }
0x8b: {  	s0 =	sand.u32 $0x1, s1  }
0x8c: {  	s17 =	sshll.u32 s0, $0xA;
	s2 =	sadd.s32 s3, s2  }
0x8d: {  	s2 =	sadd.s32 s2, s17  }
0x8e: {  	[smem:$0x3FC3] =	sst s2  }
0x8f: {  	_ = 	snop  }
0x90: {  	s2 =	sld [smem:$0x3FC8];
	(tm) =	ssettm $0x1  }
0x91: {  	s18 =	sld [smem:$0x3FFB];
	_ =	sdelay $0x3  }
0x92: {  	_ =	strace s18  }
0x93: {  	s3 =	sld [smem:$0x3FFC];
	_ =	sdelay $0x3  }
0x94: {  	_ =	strace s3  }
0x95: {  	s3 =	sld [smem:$0x3FFD];
	_ =	sdelay $0x3  }
0x96: {  	_ =	strace s3  }
0x97: {  	_ =	strace $0x8FFFFFFF  }
0x98: {  	s19 =	sld [smem:$0x3FDB];
	_ =	sdelay $0x1  }
0x99: {  	s4 =	simm.s32 $_scs_section_size  }
0x9a: {  	s5 =	simm.s32 $_size__tile_overlayer_lowered;
	s6 =	simm.s32 $_tile_overlayer_lowered  }
0x9b: {  	s22 =	simm.s32 $0x1BFF;
	s21 =	sshll.u32 s6, $0x1;
	s3 =	sadd.s32 s4, s19  }
0x9c: {  	s7 =	simm.s32 $0x0;
	s20 =	sshll.u32 s5, $0x1;
	s5 =	sadd.s32 s21, s3  }
0x9d: {  	[timem:s7], [sflag:s22] =	dma.local [hbm:s5], s20  }
0x9e: {  	_ =	swait.ge [sflag:s22], s20  }
0x9f: {  	s4 =	ssub.s32 $0x0, s20;
	[sflag:s22] =	ssyncset.done $0x0  }
0xa0: {  	[sflag:s22] =	ssyncadd.s32 s4;
	_ =	sdelay $0x1  }
0xa1: {  	s23 =	simm.s32 $0x1B8B  }
0xa2: {  	_ =	swait.ge [sflag:s23], $0x1  }
0xa3: {  	[sflag:s23] =	ssyncset.done $0x0  }
0xa4: {  	s25 =	simm.s32 $0x1B8E;
	s24 =	sld [smem:$0x3FFE];
	[sflag:s23] =	ssyncadd.s32 $0xFFFFFFFF  }
0xa5: {  	s26 =	simm.s32 $execute0_lowered;
	[smem:$0x3FD2] =	sst s25  }
0xa6: {  	s5 =	sshll.u32 s26, $0x1;
	_ =	strace $0x80000049;
	[dreg:$0x1] =	wrdreg $0xFFFFFFFF  }
0xa7: {  	s28 =	simm.s32 $_size_execute0_lowered;
	s3 =	sadd.s32 s3, s5;
	[dreg:$0x0] =	wrdreg $0x0  }
0xa8: {  	s5 =	sshll.u32 s28, $0x1;
	[dreg:$0x2] =	wrdreg s3  }
0xa9: {  	[dreg:$0x3] =	wrdreg s5  }
0xaa: {  	[dreg:$0x4] =	wrdreg $0xC0  }
0xab: {  	_ =	task [dreg:s7], $0x5FFFF  }
0xac: {  	[dreg:$0x1] =	wrdreg $0xFFFFFFFF  }
0xad: {  	[dreg:$0x0] =	wrdreg $0x60  }
0xae: {  	[dreg:$0x2] =	wrdreg s2  }
0xaf: {  	[dreg:$0x3] =	wrdreg s24  }
0xb0: {  	[dreg:$0x4] =	wrdreg $0x9  }
0xb1: {  	_ =	task.clear_ibuf [dreg:s7], $0x5FFFF;
	_ =	strace $0x90000049  }
0xb2: {  	s29 =	simm.s32 $0x9;
	_ =	strace $0x8000004B  }
0xb3: {  	_ =	swait.ge [sflag:s29], $0x1  }
0xb4: {  	[sflag:s29] =	ssyncadd.s32 $0xFFFFFFFF  }
0xb5: {  	_ =	strace $0x9000004B  }
0xb6: {  	_ =	sfence  }
0xb7: {  	s30 =	sld [smem:$0x0];
	_ =	sdelay $0x2  }
0xb8: {  	s31 =	sshll.u32 s1, $0xD;
	s1 =	sshrl.u32 s1, $0x2  }
0xb9: {  	s3 =	sand.u32 $0x4000, s31;
	s1 =	sadd.s32 s1, s30  }
0xba: {  	s0 =	sor.u32 s3, s0;
	s1 =	sshll.u32 s1, $0x11  }
0xbb: {  	s0 =	sor.u32 s1, s0  }
0xbc: {  	s0 =	sadd.s32 $0x8F2B, s0  }
0xbd: {  	[sflag:s0] =	ssyncadd.remote.s32 $0x1  }
0xbe: {  	_ =	sfence.sel $0xFFFF  }
0xbf: {  	[dreg:$0x0] =	wrdreg $0xFFFFFFFF;
	(pc) =	sbr.abs _section_cstart, $3  }
0xc0: {  	[dreg:$0x1] =	wrdreg $0xFFFFFFFF  }
0xc1: {  	_ =	task.clear_ibuf [dreg:s7], $0x2FFFF;
	_ =	strace $0x9FFFFFFF  }
0xc2: {  	(tm) =	ssettm $0x7FFFFFFF  }
0xc3: {  	_ =	shalt  }
tec
execute0_lowered:
.L_overlay_start_1:
0x0: {  	(tag) =	ssettag $0x1  }
0x1: {  	s4 =	rddreg [dreg:$0x0];
	s1 =	srdreg.scid  }
0x2: {  	s0 =	stileid.u32;
	s5 =	rddreg [dreg:$0x1]  }
0x3: {  	s11 =	simm.s32 $0x1E00;
	s10 =	simm.s32 $0x80;
	s12 =	simm.s32 $0x2  }
0x4: {  	s13 =	simm.s32 $0x0;
	s6 =	sand.u32 $0x1, s1;
	s2 =	sshll.u32 s0, $0x1  }
0x5: {  	s1 =	rddreg [dreg:$0x2];
	s3 =	sshrl.u32 s0, $0x2;
	s7 =	sor.u32 s6, s2  }
0x6: {  	s2 =	simm.s32 $0x0;
	s3 =	smul.u32 $0x13C00, s3;
	s6 =	ssub.s32 $0x2, s6  }
0x7: {  	s8 =	sshll.u32 s7, $0x7;
	[smem:$0x7FF] =	sst s2;
	s9 =	smul.u32 $0xA00, s7  }
0x8: {  	p0 =	seq.s32 s7, $0x1F;
	s31 =	sshrl.u32 s6, $0x1;
	s7 =	simm.s32 $0x5000  }
0x9: {  	s8 =	sand.u32 $0x380, s8;
	_ =	strace $0x8000004A;
	s6 =	ssub.s32 s6, s31  }
0xa: {  	s11 =	simm.s32 @!p0 $0x0;
	s8 =	sor.u32 s3, s8;
	s3 =	sadd.s32 $0x2200, s5  }
0xb: {  	s9 =	simm.s32 @p0 $0x12E80;
	s6 =	smax.u32 s6, $0x1;
	s8 =	sshrl.u32 s8, $0x3  }
0xc: {  	v0 =	vmov s11;
	s11 =	simm.s32 $0x400;
	s4 =	sadd.s32 s4, s9;
	s5 =	sadd.s32 s8, s5  }
0xd: {  	v1 =	vimm.f32 $0.0e+00;
	v2 =	vlaneseq.u32;
	s9 =	simm.s32 $0x7780;
	s8 =	simm.s32 $0x1;
	s5 =	sadd.s32 $0x2800, s5  }
.LBB2_1:
0xe: {  	[tilespmem:s2], [sflag:$0x1] =	stream.linear.gather [hbm4b:s4+s2], $0x5000, $0x38;
	[tilespmem:$0x9F00] =	vst v63  }
0xf: {  	s14 =	simm.s32 $0x77A0  }
0x10: {  	[tilespmem:s7], [sflag:$0x1] =	stream.linear.gather [hbm4b:s3+s2], $0x2780, $0x38;
	[tilespmem:$0x9F00] =	vst v63  }
0x11: {  	[tilespmem:s14+$0xFFFFFFE0] =	vst v1  }
0x12: {  	[tilespmem:s14+$0x10] =	vst v1  }
0x13: {  	s15 =	simm.s32 $0x0;
	[tilespmem:s14+$0x0] =	vst v1  }
.LBB2_2:
0x14: {  	s15 =	sadd.s32 $0x4, s15  }
0x15: {  	[tilespmem:s14+$0xFFFFFFF0] =	vst v1;
	s14 =	sadd.s32 $0x40, s14;
	p0 =	slt.u32 s15, $0x26C  }
.Ltmp0:
0x16: {  	[tilespmem:s14+$0xFFFFFFE0] =	vst v1;
	(pc) =	sbr.rel @p0 .LBB2_2-.Ltmp0, $3  }
0x17: {  	_ =	sdelay $0x1  }
0x18: {  	[tilespmem:s14+$0x10] =	vst v1  }
0x19: {  	[tilespmem:s14+$0x0] =	vst v1  }
0x1a: {  	[tilespmem:s14+$0xFFFFFFF0] =	vst v1  }
0x1b: {  	[tilespmem:$0x9E80] =	vst v1  }
0x1c: {  	_ =	swait.ge [sflag:s8], $0x5000  }
0x1d: {  	[sflag:s8] =	ssyncset.done $0x0  }
0x1e: {  	[sflag:s8] =	ssyncadd.s32 $0xFFFFB000  }
0x1f: {  	s25 =	simm.s32 $0x0;
	s15 =	simm.s32 $0x20;
	_ =	swait.ge [sflag:s8], $0x2780  }
0x20: {  	s16 =	sand.u32 $0x7F00, s25;
	s17 =	sand.u32 $0x60, s15;
	[sflag:s8] =	ssyncset.done $0x0  }
0x21: {  	s18 =	simm.s32 $0x0;
	s17 =	sor.u32 s17, s16;
	[sflag:s8] =	ssyncadd.s32 $0xFFFFD880  }
0x22: {  	s19 =	simm.s32 $0x30;
	s20 =	simm.s32 $0x10;
	s21 =	sand.u32 $0x40, s18;
	v3 =	vld [tilespmem:s17+$0x0]  }
0x23: {  	s26 =	sand.u32 $0x50, s20;
	s22 =	sand.u32 $0x3, s25;
	v4 =	vor.u32 s15, v2;
	s21 =	sor.u32 s21, s16  }
0x24: {  	s14 =	sand.u32 $0x7, s25;
	s28 =	sshll.u32 s22, $0x5;
	vm0 =	vge.u32 v4, v0;
	v5 =	vld [tilespmem:s21+$0x0];
	s17 =	sor.u32 s26, s16  }
0x25: {  	s29 =	sand.u32 $0x70, s19;
	s14 =	sshll.u32 s14, $0x4;
	v4 =	vor.u32 s18, v2;
	s15 =	sadd.s32 $0x0, s28;
	v6 =	vld [tilespmem:s17+$0x0]  }
0x26: {  	v7 =	vor.u32 s20, v2;
	vm3 =	vge.u32 v4, v0;
	s14 =	sadd.s32 $0x0, s14;
	s15 =	sadd.s32 $0x20, s15;
	s16 =	sor.u32 s29, s16  }
0x27: {  	vm1 =	vge.u32 v7, v0;
	v4 =	vor.u32 s19, v2;
	s30 =	sadd.s32 $0x10, s14;
	s15 =	sor.u32 $0x80, s15;
	v7 =	vld [tilespmem:s16+$0x0]  }
0x28: {  	vm2 =	vge.u32 v4, v0;
	s31 =	sor.u32 $0x80, s30;
	v8 =	vld [tilespmem:s15+$0x0]  }
0x29: {  	p0 =	por $0x0, $0x0;
	s14 =	sadd.s32 $0x30, s14;
	vm2 =	vmmov vm2;
	s15 =	simm.s32 $0x1;
	v9 =	vld [tilespmem:s31+$0x0]  }
0x2a: {  	s14 =	sor.u32 $0x80, s14;
	s15 =	simm.s32 @!p0 $0x0;
	v10 =	vld.idx.msk [tilespmem:v3+s7+$0x0], vm0  }
0x2b: {  	s15 =	sshll.u32 s15, $0x6;
	v3 =	vld [tilespmem:s14+$0x0]  }
0x2c: {  	s17 =	sadd.s32 $0x0, s15;
	v5 =	vld.idx.msk [tilespmem:v5+s7+$0x0], vm3  }
0x2d: {  	s14 =	sor.u32 $0x80, s17;
	v6 =	vld.idx.msk [tilespmem:v6+s7+$0x0], vm1  }
0x2e: {  	s18 =	simm.s32 $0x4;
	s19 =	simm.s32 $0x60;
	v11 =	vld [tilespmem:s14+$0x0];
	s14 =	simm.s32 $0x80  }
0x2f: {  	s30 =	sand.u32 $0x60, s19;
	s31 =	simm.s32 $0x40;
	v4 =	vld.idx.msk [tilespmem:v7+s7+$0x0], vm2;
	s29 =	sand.u32 $0x7F00, s14  }
0x30: {  	s20 =	sand.u32 $0x7, s18;
	s25 =	sand.u32 $0x40, s31;
	vm3 =	vmmov vm3;
	s16 =	sor.u32 s30, s29;
	[tilespmem:v8+s9+$0x0] =	vst.idx.add.f32.msk vm0, v10  }
0x31: {  	s18 =	sshll.u32 s20, $0x4;
	s15 =	simm.s32 $0x70;
	s22 =	sor.u32 s25, s29;
	v10 =	vld [tilespmem:s16+$0x0]  }
0x32: {  	s21 =	simm.s32 $0x50;
	s26 =	sand.u32 $0x70, s15;
	v7 =	vor.u32 s19, v2;
	v12 =	vld [tilespmem:s22+$0x0];
	s16 =	simm.s32 $0x2  }
0x33: {  	s23 =	sand.u32 $0x50, s21;
	s17 =	sor.u32 s26, s29;
	s24 =	sand.u32 $0x3, s16;
	[tilespmem:v9+s9+$0x0] =	vst.idx.add.f32.msk vm1, v6;
	vm1 =	vge.u32 v7, v0  }
0x34: {  	s18 =	sadd.s32 $0x80, s18;
	s28 =	sor.u32 s23, s29;
	v8 =	vld [tilespmem:s17+$0x0];
	v6 =	vor.u32 s31, v2;
	s24 =	sshll.u32 s24, $0x5  }
0x35: {  	s30 =	sadd.s32 $0x10, s18;
	v7 =	vld [tilespmem:s28+$0x0];
	vm5 =	vge.u32 v6, v0;
	s29 =	sadd.s32 $0x80, s24  }
0x36: {  	v13 =	vor.u32 s21, v2;
	s17 =	sor.u32 $0x80, s30;
	s19 =	sadd.s32 $0x20, s29;
	[tilespmem:v11+s9+$0x0] =	vst.idx.add.f32.msk vm3, v5;
	v5 =	vor.u32 s15, v2  }
0x37: {  	s20 =	simm.s32 $0x1;
	p0 =	por !p0, !p0;
	vm0 =	vge.u32 v13, v0;
	v6 =	vld [tilespmem:s17+$0x0];
	s19 =	sor.u32 $0x80, s19;
	vm4 =	vge.u32 v5, v0  }
0x38: {  	s20 =	simm.s32 @!p0 $0x0;
	s18 =	sadd.s32 $0x30, s18;
	v9 =	vld [tilespmem:s19+$0x0];
	vm4 =	vmmov vm4  }
0x39: {  	s18 =	sor.u32 $0x80, s18;
	s31 =	sshll.u32 s20, $0x6;
	v11 =	vld.idx.msk [tilespmem:v10+s7+$0x0], vm1  }
0x3a: {  	p0 =	por !p0, !p0;
	s19 =	sadd.s32 $0x80, s31;
	v10 =	vld [tilespmem:s18+$0x0]  }
0x3b: {  	s17 =	simm.s32 $0x4;
	vm3 =	vmmov vm2;
	vm2 =	vmmov vm5;
	s19 =	sor.u32 $0x80, s19;
	v5 =	vld.idx.msk [tilespmem:v12+s7+$0x0], vm5;
	s18 =	simm.s32 $0x8  }
.LBB2_4:
0x3c: {  	s21 =	simm.s32 $0x1  }
0x3d: {  	s20 =	sand.u32 $0x7, s18;
	v7 =	vld.idx.msk [tilespmem:v7+s7+$0x0], vm0;
	s21 =	simm.s32 @!p0 $0x0  }
0x3e: {  	s15 =	sadd.s32 $0x40, s15;
	s20 =	sshll.u32 s20, $0x4;
	s21 =	sshll.u32 s21, $0x6;
	v8 =	vld.idx.msk [tilespmem:v8+s7+$0x0], vm4  }
0x3f: {  	s17 =	sadd.s32 $0x4, s17;
	s14 =	sadd.s32 $0x80, s14;
	s22 =	sadd.s32 $0xFFFFFFF0, s15;
	v12 =	vor.u32 s15, v2;
	v13 =	vld [tilespmem:s19+$0x0]  }
0x40: {  	p1 =	slt.u32 s17, $0x27C;
	s23 =	sand.u32 $0x60, s22;
	vm5 =	vge.u32 v12, v0;
	s19 =	sand.u32 $0x7F00, s14;
	[tilespmem:v9+s9+$0x0] =	vst.idx.add.f32.msk vm1, v11  }
0x41: {  	s24 =	sadd.s32 $0xFFFFFFD0, s15;
	s25 =	sadd.s32 $0xFFFFFFE0, s15;
	s23 =	sor.u32 s23, s19;
	[tilespmem:v3+s9+$0x0] =	vst.idx.add.f32.msk vm3, v4;
	v3 =	vmov v10;
	vm3 =	vmmov vm4;
	vm4 =	vmmov vm5  }
0x42: {  	s16 =	sadd.s32 $0x2, s16;
	v14 =	vor.u32 s24, v2;
	s24 =	sand.u32 $0x40, s24;
	v9 =	vor.u32 s25, v2;
	s25 =	sand.u32 $0x50, s25;
	v10 =	vld [tilespmem:s23+$0x0]  }
0x43: {  	s24 =	sor.u32 s24, s19;
	v11 =	vor.u32 s22, v2;
	s22 =	sand.u32 $0x70, s15;
	vm5 =	vge.u32 v14, v0;
	s23 =	sand.u32 $0x3, s16;
	[tilespmem:v6+s9+$0x0] =	vst.idx.add.f32.msk vm0, v7;
	vm0 =	vge.u32 v9, v0  }
0x44: {  	vm1 =	vge.u32 v11, v0;
	s23 =	sshll.u32 s23, $0x5;
	v4 =	vmov v8;
	v12 =	vld [tilespmem:s24+$0x0];
	s24 =	sor.u32 s25, s19;
	s19 =	sor.u32 s22, s19  }
0x45: {  	s20 =	sadd.s32 s14, s20;
	s21 =	sadd.s32 s21, s14;
	s22 =	sadd.s32 s14, s23;
	v7 =	vld [tilespmem:s24+$0x0]  }
0x46: {  	s23 =	sadd.s32 $0x10, s20;
	s22 =	sadd.s32 $0x20, s22;
	v8 =	vld [tilespmem:s19+$0x0];
	s19 =	sadd.s32 $0x30, s20  }
0x47: {  	s20 =	sor.u32 $0x80, s23;
	s22 =	sor.u32 $0x80, s22;
	s23 =	sor.u32 $0x80, s19;
	[tilespmem:v13+s9+$0x0] =	vst.idx.add.f32.msk vm2, v5;
	vm2 =	vmmov vm5  }
.Ltmp1:
0x48: {  	s19 =	sor.u32 $0x80, s21;
	v9 =	vld [tilespmem:s22+$0x0];
	(pc) =	sbr.rel @p1 .LBB2_4-.Ltmp1, $4  }
0x49: {  	v6 =	vld [tilespmem:s20+$0x0]  }
0x4a: {  	v11 =	vld.idx.msk [tilespmem:v10+s7+$0x0], vm1  }
0x4b: {  	v10 =	vld [tilespmem:s23+$0x0]  }
0x4c: {  	s18 =	sadd.s32 $0x4, s18;
	p0 =	por !p0, !p0;
	v5 =	vld.idx.msk [tilespmem:v12+s7+$0x0], vm5  }
0x4d: {  	_ =	sdelay $0x3  }
0x4e: {  	v12 =	vld [tilespmem:s19+$0x0]  }
0x4f: {  	v7 =	vld.idx.msk [tilespmem:v7+s7+$0x0], vm0  }
0x50: {  	v8 =	vld.idx.msk [tilespmem:v8+s7+$0x0], vm4;
	_ =	sdelay $0x1  }
0x51: {  	[tilespmem:v3+s9+$0x0] =	vst.idx.add.f32.msk vm3, v4  }
0x52: {  	[tilespmem:v9+s9+$0x0] =	vst.idx.add.f32.msk vm1, v11  }
0x53: {  	s13 =	sadd.s32 $0x1, s13;
	[tilespmem:v6+s9+$0x0] =	vst.idx.add.f32.msk vm0, v7  }
0x54: {  	p0 =	sne.s32 s13, s6;
	[tilespmem:v10+s9+$0x0] =	vst.idx.add.f32.msk vm4, v8  }
.Ltmp2:
0x55: {  	[tilespmem:v12+s9+$0x0] =	vst.idx.add.f32.msk vm2, v5;
	(pc) =	sbr.rel @p0 .LBB2_1-.Ltmp2, $4  }
0x56: {  	[hbm4b:s5+s10] =	stream.strided.scatter [tilespmem:s9], [sflag:$0x2], $0x2780, s11, s10, $0x38;
	[tilespmem:$0x9F00] =	vst v63  }
0x57: {  	_ =	swait.ge [sflag:s12], $0x2780  }
0x58: {  	[sflag:s12] =	ssyncset.done $0x0  }
0x59: {  	vm5 =	vmmov vm4;
	[sflag:s12] =	ssyncadd.s32 $0xFFFFD880  }
0x5a: {  	_ =	sfence.sel $0x180000  }
0x5b: {  	[bflag:$0x0] =	sbarrier.arrive $0xFFFF  }
0x5c: {  	p0 =	sne.s32 s0, $0x0;
	_ =	strace $0x9000004A  }
0x5d: {  	s0 =	sadd.s32 @!p0 $0x100000, s1;
	[bflag:$0x2] =	sbarrier.arrive $0xFFFF  }
0x5e: {  	[sflag:s0] =	ssyncadd.tile.s32 @!p0 $0x1;
	_ =	shalt  }
.Lfunc_end2:
_tile_overlayer_lowered:
.L_overlay_start_2:
0x5f: {  	(tag) =	ssettag $0x2  }
0x60: {  	s0 =	rddreg [dreg:$0x0];
	s2 =	stileid.u32  }
0x61: {  	s1 =	rddreg [dreg:$0x1];
	p0 =	sne.s32 s2, $0x0  }
0x62: {  	s3 =	rddreg [dreg:$0x2];
	[bflag:$0x3] =	sbarrier.arrive $0xFFFF;
	s2 =	simm.s32 @!p0 $0x1C02  }
0x63: {  	[timem:s3], [sflag:s2] =	dma.local @!p0 [hbm:s0], s1  }
0x64: {  	s0 =	simm.s32 @!p0 $0x2  }
0x65: {  	_ =	swait.ge @!p0 [sflag:s0], s1  }
0x66: {  	s1 =	ssub.s32 @!p0 $0x0, s1;
	[sflag:s0] =	ssyncset.done @!p0 $0x0  }
0x67: {  	[sflag:s0] =	ssyncadd.s32 @!p0 s1  }
0x68: {  	[bflag:$0x3] =	sbarrier.arrive $0xFFFF  }
0x69: {  	_ =	shalt  }

// kernel: sc_deg.3.cloned.1.call-start
scs
__scs_entry_jumppad:
0x0: {  	(pc) =	sbr.rel $0x88, $3  }
0x1: {  	(tag) =	ssettag $0x0;
	lr =	simm.s32 $0x1  }
0x2: {  	[smem:$0x3F9C] =	sst lr;
	_ =	strace $0xD0000000  }
0x3: {  	_ = 	snop  }
0x4: {  	_ = 	snop  }
0x5: {  	_ = 	snop  }
0x6: {  	_ = 	snop  }
0x7: {  	_ = 	snop  }
__scs_overlays_trampoline_lowered:
0x8: {  	[smem:$0x3FAB] =	sst s0  }
0x9: {  	[smem:$0x3FAC] =	sst s1  }
0xa: {  	[smem:$0x3FAD] =	sst s2  }
0xb: {  	[smem:$0x3FAE] =	sst s3  }
0xc: {  	[smem:$0x3FAF] =	sst s4  }
0xd: {  	[smem:$0x3FB0] =	sst s5  }
0xe: {  	[smem:$0x3FB1] =	sst s6  }
0xf: {  	[smem:$0x3FB2] =	sst s7  }
0x10: {  	[smem:$0x3FB3] =	sst s8  }
0x11: {  	[smem:$0x3FB4] =	sst s9;
	s0 =	simm.s32 @!p0 $0x0  }
0x12: {  	s1 =	sld [smem:$0x3F9A];
	s0 =	simm.s32 @p0 $0x1  }
0x13: {  	[smem:$0x3FB5] =	sst s0;
	s0 =	simm.s32 @!p1 $0x0  }
0x14: {  	s2 =	sld [smem:$0x3F99];
	s0 =	simm.s32 @p1 $0x1  }
0x15: {  	[smem:$0x3FB6] =	sst s0;
	s0 =	simm.s32 @!p2 $0x0  }
0x16: {  	s3 =	sld [smem:$0x3FDB];
	s0 =	simm.s32 @p2 $0x1  }
0x17: {  	s4 =	simm.s32 $0x1BF5;
	[smem:$0x3FB8] =	sst s0  }
0x18: {  	s0 =	sld [smem:$0x3F9B];
	_ =	swait.ge [sflag:s4], $0x0  }
0x19: {  	s7 =	sld [smem:$0x3F9C]  }
0x1a: {  	s8 =	sadd.s32 $0xFFFFE003, lr  }
0x1b: {  	s9 =	sadd.s32 $0xFFFFFEF7, lr;
	s5 =	simm.s32 $0xFFFFFFFF;
	p2 =	slt.u32 s8, $0xFFFFF086  }
0x1c: {  	p1 =	slt.u32 s9, $0xF7A;
	s5 =	simm.s32 @!p2 $0x0  }
0x1d: {  	s5 =	simm.s32 @p1 $0x1;
	p0 =	seq.s32 s7, s2  }
0x1e: {  	s7 =	smul.u32 @!p0 $0xF7A, s2;
	p2 =	seq.s32 @!p0 s5, $0x0  }
0x1f: {  	s9 =	smul.u32 $0xF7A, s1;
	s8 =	simm.s32 @!p0 $0x1BF5;
	p2 =	por !p2, p0  }
0x20: {  	[sflag:s8] =	ssyncset.s32 @!p0 $0xFFFFF086;
	s6 =	sadd.s32 @!p0 s3, s7;
	s7 =	simm.s32 @!p0 $0x108  }
0x21: {  	s3 =	sadd.s32 s3, s9;
	s6 =	sadd.s32 @!p0 $0x88, s6;
	s7 =	simm.s32 @p2 $0x1082  }
0x22: {  	[simem:s7], [sflag:s8] =	dma.local @!p0 [hbm:s6], $0xF7A  }
0x23: {  	s9 =	sor.u32 $0xD0000000, s2;
	s6 =	simm.s32 $0x108;
	_ =	swait.ge @!p0 [sflag:s8], $0x0  }
0x24: {  	s3 =	sadd.s32 $0x88, s3;
	s6 =	simm.s32 @!p1 $0x1082;
	[sflag:s4] =	ssyncset.s32 $0xFFFFF086  }
0x25: {  	[simem:s6], [sflag:s4] =	dma.local [hbm:s3], $0xF7A  }
0x26: {  	[smem:$0x3F9C] =	sst s1;
	(tag) =	ssettag s2;
	_ =	strace s9  }
0x27: {  	s1 =	sld [smem:$0x3FAC]  }
0x28: {  	s2 =	sld [smem:$0x3FAD]  }
0x29: {  	s4 =	sld [smem:$0x3FAF]  }
0x2a: {  	p0 =	seq.s32 s5, $0x0;
	s5 =	sld [smem:$0x3FB0]  }
0x2b: {  	s6 =	sld [smem:$0x3FB1]  }
0x2c: {  	s7 =	sld [smem:$0x3FB2]  }
0x2d: {  	s3 =	simm.s32 $0x108;
	s8 =	sld [smem:$0x3FB3]  }
0x2e: {  	s3 =	simm.s32 @!p0 $0x1082;
	s9 =	sld [smem:$0x3FB4]  }
0x2f: {  	lr =	sadd.s32 s0, s3;
	s0 =	sld [smem:$0x3FAB]  }
0x30: {  	s3 =	sld [smem:$0x3FAE]  }
0x31: {  	[smem:$0x3FB7] =	sst s10  }
0x32: {  	s10 =	sld [smem:$0x3FB5];
	_ =	sdelay $0x3  }
0x33: {  	p0 =	seq.s32 s10, $0x1;
	s10 =	sld [smem:$0x3FB7];
	_ =	sdelay $0x3  }
0x34: {  	[smem:$0x3FB7] =	sst s10  }
0x35: {  	s10 =	sld [smem:$0x3FB6];
	_ =	sdelay $0x3  }
0x36: {  	p1 =	seq.s32 s10, $0x1;
	s10 =	sld [smem:$0x3FB7];
	_ =	sdelay $0x3  }
0x37: {  	[smem:$0x3FB7] =	sst s10  }
0x38: {  	s10 =	sld [smem:$0x3FB8]  }
0x39: {  	_ = 	snop;
	(pc) =	sbr.ind lr, $3  }
0x3a: {  	_ = 	snop  }
0x3b: {  	_ = 	snop  }
0x3c: {  	p2 =	seq.s32 s10, $0x1;
	s10 =	sld [smem:$0x3FB7]  }
0x3d: {  	_ =	shalt  }
0x3e: {  	_ =	shalt  }
0x3f: {  	_ =	shalt  }
0x40: {  	_ =	shalt  }
0x41: {  	_ =	shalt  }
0x42: {  	_ =	shalt  }
0x43: {  	_ =	shalt  }
0x44: {  	_ =	shalt  }
0x45: {  	_ =	shalt  }
0x46: {  	_ =	shalt  }
0x47: {  	_ =	shalt  }
0x48: {  	_ =	shalt  }
0x49: {  	_ =	shalt  }
0x4a: {  	_ =	shalt  }
0x4b: {  	_ =	shalt  }
0x4c: {  	_ =	shalt  }
0x4d: {  	_ =	shalt  }
0x4e: {  	_ =	shalt  }
0x4f: {  	_ =	shalt  }
0x50: {  	_ =	shalt  }
0x51: {  	_ =	shalt  }
0x52: {  	_ =	shalt  }
0x53: {  	_ =	shalt  }
0x54: {  	_ =	shalt  }
0x55: {  	_ =	shalt  }
0x56: {  	_ =	shalt  }
0x57: {  	_ =	shalt  }
0x58: {  	_ =	shalt  }
0x59: {  	_ =	shalt  }
0x5a: {  	_ =	shalt  }
0x5b: {  	_ =	shalt  }
0x5c: {  	_ =	shalt  }
0x5d: {  	_ =	shalt  }
0x5e: {  	_ =	shalt  }
0x5f: {  	_ =	shalt  }
0x60: {  	_ =	shalt  }
0x61: {  	_ =	shalt  }
0x62: {  	_ =	shalt  }
0x63: {  	_ =	shalt  }
0x64: {  	_ =	shalt  }
0x65: {  	_ =	shalt  }
0x66: {  	_ =	shalt  }
0x67: {  	_ =	shalt  }
0x68: {  	_ =	shalt  }
0x69: {  	_ =	shalt  }
0x6a: {  	_ =	shalt  }
0x6b: {  	_ =	shalt  }
0x6c: {  	_ =	shalt  }
0x6d: {  	_ =	shalt  }
0x6e: {  	_ =	shalt  }
0x6f: {  	_ =	shalt  }
0x70: {  	_ =	shalt  }
0x71: {  	_ =	shalt  }
0x72: {  	_ =	shalt  }
0x73: {  	_ =	shalt  }
0x74: {  	_ =	shalt  }
0x75: {  	_ =	shalt  }
0x76: {  	_ =	shalt  }
0x77: {  	_ =	shalt  }
0x78: {  	_ =	shalt  }
0x79: {  	_ =	shalt  }
0x7a: {  	_ =	shalt  }
0x7b: {  	_ =	shalt  }
0x7c: {  	_ =	shalt  }
0x7d: {  	_ =	shalt  }
0x7e: {  	_ =	shalt  }
0x7f: {  	_ =	shalt  }
0x80: {  	_ =	shalt  }
0x81: {  	_ =	shalt  }
0x82: {  	_ =	shalt  }
0x83: {  	_ =	shalt  }
0x84: {  	_ =	shalt  }
0x85: {  	_ =	shalt  }
0x86: {  	_ =	shalt  }
0x87: {  	_ =	shalt  }
.Lfunc_end0:
.L_simem_size_0:
called_computation_lowered:
.L_overlay_start_0:
0x88: {  	s2 =	sld [smem:$0x3FD9]  }
0x89: {  	s3 =	sld [smem:$0x3FFE];
	_ =	sdelay $0x1  }
0x8a: {  	s1 =	srdreg.scid  }
0x8b: {  	s0 =	sand.u32 $0x1, s1  }
0x8c: {  	s17 =	sshll.u32 s0, $0xA;
	s2 =	sadd.s32 s3, s2  }
0x8d: {  	s2 =	sadd.s32 s2, s17  }
0x8e: {  	[smem:$0x3FC3] =	sst s2  }
0x8f: {  	_ = 	snop  }
0x90: {  	s2 =	sld [smem:$0x3FC8];
	(tm) =	ssettm $0x1  }
0x91: {  	s18 =	sld [smem:$0x3FFB];
	_ =	sdelay $0x3  }
0x92: {  	_ =	strace s18  }
0x93: {  	s3 =	sld [smem:$0x3FFC];
	_ =	sdelay $0x3  }
0x94: {  	_ =	strace s3  }
0x95: {  	s3 =	sld [smem:$0x3FFD];
	_ =	sdelay $0x3  }
0x96: {  	_ =	strace s3  }
0x97: {  	_ =	strace $0x8FFFFFFF  }
0x98: {  	s19 =	sld [smem:$0x3FDB];
	_ =	sdelay $0x1  }
0x99: {  	s4 =	simm.s32 $_scs_section_size  }
0x9a: {  	s5 =	simm.s32 $_size__tile_overlayer_lowered;
	s6 =	simm.s32 $_tile_overlayer_lowered  }
0x9b: {  	s22 =	simm.s32 $0x1BFF;
	s21 =	sshll.u32 s6, $0x1;
	s3 =	sadd.s32 s4, s19  }
0x9c: {  	s7 =	simm.s32 $0x0;
	s20 =	sshll.u32 s5, $0x1;
	s5 =	sadd.s32 s21, s3  }
0x9d: {  	[timem:s7], [sflag:s22] =	dma.local [hbm:s5], s20  }
0x9e: {  	_ =	swait.ge [sflag:s22], s20  }
0x9f: {  	s4 =	ssub.s32 $0x0, s20;
	[sflag:s22] =	ssyncset.done $0x0  }
0xa0: {  	[sflag:s22] =	ssyncadd.s32 s4;
	_ =	sdelay $0x1  }
0xa1: {  	s23 =	simm.s32 $0x1B8B  }
0xa2: {  	_ =	swait.ge [sflag:s23], $0x1  }
0xa3: {  	[sflag:s23] =	ssyncset.done $0x0  }
0xa4: {  	s25 =	simm.s32 $0x1B8E;
	s24 =	sld [smem:$0x3FFE];
	[sflag:s23] =	ssyncadd.s32 $0xFFFFFFFF  }
0xa5: {  	s26 =	simm.s32 $execute0_lowered;
	[smem:$0x3FD2] =	sst s25  }
0xa6: {  	s5 =	sshll.u32 s26, $0x1;
	_ =	strace $0x80000046;
	[dreg:$0x1] =	wrdreg $0xFFFFFFFF  }
0xa7: {  	s28 =	simm.s32 $_size_execute0_lowered;
	s3 =	sadd.s32 s3, s5;
	[dreg:$0x0] =	wrdreg $0x0  }
0xa8: {  	s5 =	sshll.u32 s28, $0x1;
	[dreg:$0x2] =	wrdreg s3  }
0xa9: {  	[dreg:$0x3] =	wrdreg s5  }
0xaa: {  	[dreg:$0x4] =	wrdreg $0xC0  }
0xab: {  	_ =	task [dreg:s7], $0x5FFFF  }
0xac: {  	[dreg:$0x1] =	wrdreg $0xFFFFFFFF  }
0xad: {  	[dreg:$0x0] =	wrdreg $0x60  }
0xae: {  	[dreg:$0x2] =	wrdreg s2  }
0xaf: {  	[dreg:$0x3] =	wrdreg s24  }
0xb0: {  	[dreg:$0x4] =	wrdreg $0x9  }
0xb1: {  	_ =	task.clear_ibuf [dreg:s7], $0x5FFFF;
	_ =	strace $0x90000046  }
0xb2: {  	s29 =	simm.s32 $0x9;
	_ =	strace $0x80000048  }
0xb3: {  	_ =	swait.ge [sflag:s29], $0x1  }
0xb4: {  	[sflag:s29] =	ssyncadd.s32 $0xFFFFFFFF  }
0xb5: {  	_ =	strace $0x90000048  }
0xb6: {  	_ =	sfence  }
0xb7: {  	s30 =	sld [smem:$0x0];
	_ =	sdelay $0x2  }
0xb8: {  	s31 =	sshll.u32 s1, $0xD;
	s1 =	sshrl.u32 s1, $0x2  }
0xb9: {  	s3 =	sand.u32 $0x4000, s31;
	s1 =	sadd.s32 s1, s30  }
0xba: {  	s0 =	sor.u32 s3, s0;
	s1 =	sshll.u32 s1, $0x11  }
0xbb: {  	s0 =	sor.u32 s1, s0  }
0xbc: {  	s0 =	sadd.s32 $0x8F2B, s0  }
0xbd: {  	[sflag:s0] =	ssyncadd.remote.s32 $0x1  }
0xbe: {  	_ =	sfence.sel $0xFFFF  }
0xbf: {  	[dreg:$0x0] =	wrdreg $0xFFFFFFFF;
	(pc) =	sbr.abs _section_cstart, $3  }
0xc0: {  	[dreg:$0x1] =	wrdreg $0xFFFFFFFF  }
0xc1: {  	_ =	task.clear_ibuf [dreg:s7], $0x2FFFF;
	_ =	strace $0x9FFFFFFF  }
0xc2: {  	(tm) =	ssettm $0x7FFFFFFF  }
0xc3: {  	_ =	shalt  }
tec
execute0_lowered:
.L_overlay_start_1:
0x0: {  	(tag) =	ssettag $0x1  }
0x1: {  	s1 =	srdreg.scid;
	s0 =	stileid.u32  }
0x2: {  	s4 =	rddreg [dreg:$0x0];
	s3 =	sand.u32 $0x1, s1;
	s28 =	sshll.u32 s0, $0x1  }
0x3: {  	s6 =	rddreg [dreg:$0x1];
	s29 =	sshrl.u32 s0, $0x2;
	s5 =	sor.u32 s3, s28  }
0x4: {  	s2 =	simm.s32 $0x0;
	s7 =	smul.u32 $0x13C00, s29;
	s8 =	sshll.u32 s5, $0x7  }
0x5: {  	s9 =	simm.s32 $0x1E00;
	s10 =	simm.s32 $0x2;
	s8 =	sand.u32 $0x380, s8  }
0x6: {  	s11 =	simm.s32 $0x0;
	s1 =	rddreg [dreg:$0x2];
	s7 =	sor.u32 s7, s8  }
0x7: {  	[smem:$0x7FF] =	sst s2;
	s3 =	ssub.s32 $0x2, s3;
	s7 =	sshrl.u32 s7, $0x3  }
0x8: {  	s30 =	sshrl.u32 s3, $0x1;
	s6 =	sadd.s32 s7, s6;
	s7 =	smul.u32 $0xA00, s5  }
0x9: {  	_ =	strace $0x80000047;
	p0 =	seq.s32 s5, $0x1F;
	s31 =	ssub.s32 s3, s30  }
0xa: {  	s9 =	simm.s32 @!p0 $0x0;
	s8 =	simm.s32 $0x80;
	s7 =	simm.s32 @p0 $0x12E80  }
0xb: {  	v0 =	vmov s9;
	s9 =	simm.s32 $0x400;
	s5 =	smax.u32 s31, $0x1;
	s3 =	sadd.s32 s4, s7  }
0xc: {  	v1 =	vimm.f32 $0.0e+00;
	v2 =	vlaneseq.u32;
	v3 =	vimm.f32 $1.000000000e+00;
	s4 =	sadd.s32 $0x2200, s6;
	s6 =	simm.s32 $0x1;
	s7 =	simm.s32 $0x5000  }
.LBB2_1:
0xd: {  	[tilespmem:s2], [sflag:$0x1] =	stream.linear.gather [hbm4b:s3+s2], $0x5000, $0x38;
	[tilespmem:$0x7780] =	vst v63  }
0xe: {  	s12 =	simm.s32 $0x5020  }
0xf: {  	[tilespmem:s12+$0xFFFFFFE0] =	vst v1  }
0x10: {  	[tilespmem:s12+$0x10] =	vst v1  }
0x11: {  	s13 =	simm.s32 $0x0;
	[tilespmem:s12+$0x0] =	vst v1  }
.LBB2_2:
0x12: {  	s13 =	sadd.s32 $0x4, s13  }
0x13: {  	[tilespmem:s12+$0xFFFFFFF0] =	vst v1;
	s12 =	sadd.s32 $0x40, s12;
	p0 =	slt.u32 s13, $0x26C  }
.Ltmp0:
0x14: {  	[tilespmem:s12+$0xFFFFFFE0] =	vst v1;
	(pc) =	sbr.rel @p0 .LBB2_2-.Ltmp0, $3  }
0x15: {  	_ =	sdelay $0x1  }
0x16: {  	[tilespmem:s12+$0x10] =	vst v1  }
0x17: {  	[tilespmem:s12+$0x0] =	vst v1  }
0x18: {  	s13 =	simm.s32 $0x0  }
0x19: {  	[tilespmem:s12+$0xFFFFFFF0] =	vst v1;
	s24 =	sand.u32 $0x7, s13  }
0x1a: {  	[tilespmem:$0x7700] =	vst v1;
	s12 =	sshll.u32 s24, $0x4  }
0x1b: {  	_ =	swait.ge [sflag:s6], $0x5000;
	s12 =	sadd.s32 $0x0, s12  }
0x1c: {  	[sflag:s6] =	ssyncset.done $0x0;
	s15 =	sadd.s32 $0x30, s12  }
0x1d: {  	p0 =	por $0x0, $0x0;
	[sflag:s6] =	ssyncadd.s32 $0xFFFFB000;
	s15 =	sor.u32 $0x80, s15  }
0x1e: {  	s14 =	simm.s32 $0x1;
	s16 =	simm.s32 $0x30;
	s28 =	simm.s32 $0x0;
	v4 =	vld [tilespmem:s15+$0x0]  }
0x1f: {  	s29 =	simm.s32 $0x10;
	s19 =	simm.s32 $0x20;
	s18 =	simm.s32 $0x1;
	v5 =	vor.u32 s16, v2  }
0x20: {  	s14 =	simm.s32 @!p0 $0x0;
	s13 =	sand.u32 $0x3, s13;
	p0 =	por !p0, !p0;
	vm0 =	vge.u32 v5, v0  }
0x21: {  	v9 =	vor.u32 s19, v2;
	s16 =	simm.s32 $0x2;
	s19 =	simm.s32 $0x60;
	s14 =	sshll.u32 s14, $0x6  }
0x22: {  	s18 =	simm.s32 @!p0 $0x0;
	s20 =	sshll.u32 s13, $0x5;
	s14 =	sadd.s32 $0x0, s14  }
0x23: {  	s13 =	simm.s32 $0x4;
	s17 =	sadd.s32 $0x10, s12;
	s25 =	sor.u32 $0x80, s14  }
0x24: {  	p0 =	por !p0, !p0;
	s21 =	sand.u32 $0x7, s13;
	s26 =	sor.u32 $0x80, s17;
	v6 =	vld [tilespmem:s25+$0x0]  }
0x25: {  	s18 =	sshll.u32 s18, $0x6;
	s20 =	sadd.s32 $0x20, s20;
	s21 =	sshll.u32 s21, $0x4;
	v5 =	vld [tilespmem:s26+$0x0]  }
0x26: {  	v7 =	vor.u32 s28, v2;
	v8 =	vor.u32 s29, v2;
	s12 =	simm.s32 $0x20;
	s20 =	sor.u32 $0x80, s20;
	s21 =	sadd.s32 $0x80, s21;
	[tilespmem:v4+s7+$0x0] =	vst.idx.add.f32.msk vm0, v3  }
0x27: {  	vm1 =	vge.u32 v7, v0;
	s18 =	sadd.s32 $0x80, s18;
	s22 =	sadd.s32 $0x10, s21;
	s21 =	sadd.s32 $0x30, s21;
	v4 =	vld [tilespmem:s20+$0x0];
	vm0 =	vge.u32 v8, v0  }
0x28: {  	vm2 =	vge.u32 v9, v0;
	vm1 =	vmmov vm1;
	s14 =	simm.s32 $0x4;
	s18 =	sor.u32 $0x80, s18;
	s31 =	sor.u32 $0x80, s21  }
0x29: {  	vm2 =	vmmov vm2;
	s17 =	simm.s32 $0x70;
	s15 =	simm.s32 $0x80;
	s30 =	sor.u32 $0x80, s22;
	v7 =	vld [tilespmem:s31+$0x0]  }
0x2a: {  	v9 =	vor.u32 s17, v2;
	s22 =	simm.s32 $0x40;
	s21 =	simm.s32 $0x50;
	s20 =	sand.u32 $0x3, s16;
	v8 =	vld [tilespmem:s30+$0x0]  }
.LBB2_4:
0x2b: {  	s23 =	simm.s32 $0x1  }
0x2c: {  	s20 =	sshll.u32 s20, $0x5;
	v10 =	vor.u32 s22, v2;
	v11 =	vld [tilespmem:s18+$0x0];
	v12 =	vor.u32 s21, v2;
	vm3 =	vge.u32 v9, v0;
	s12 =	sadd.s32 $0x80, s12;
	s23 =	simm.s32 @!p0 $0x0  }
0x2d: {  	v9 =	vor.u32 s19, v2;
	s13 =	sadd.s32 $0x4, s13;
	s20 =	sadd.s32 s20, s12;
	vm4 =	vge.u32 v10, v0;
	s18 =	sshll.u32 s23, $0x6;
	[tilespmem:v5+s7+$0x0] =	vst.idx.add.f32.msk vm0, v3;
	vm0 =	vge.u32 v12, v0  }
0x2e: {  	s14 =	sadd.s32 $0x4, s14;
	s19 =	sand.u32 $0x7, s13;
	vm5 =	vge.u32 v9, v0;
	s20 =	sor.u32 $0x80, s20;
	[tilespmem:v6+s7+$0x0] =	vst.idx.add.f32.msk vm1, v3;
	vm1 =	vmmov vm4  }
0x2f: {  	s15 =	sadd.s32 $0x80, s15;
	p1 =	slt.u32 s14, $0x27C;
	s19 =	sshll.u32 s19, $0x4;
	[tilespmem:v4+s7+$0x0] =	vst.idx.add.f32.msk vm2, v3;
	vm2 =	vmmov vm5  }
.Ltmp1:
0x30: {  	s19 =	sadd.s32 s19, s15;
	s18 =	sadd.s32 s18, s15;
	v5 =	vmov v8;
	v4 =	vld [tilespmem:s20+$0x0];
	(pc) =	sbr.rel @p1 .LBB2_4-.Ltmp1, $4  }
0x31: {  	s18 =	sor.u32 $0x80, s18;
	s20 =	sadd.s32 $0x10, s19;
	s19 =	sadd.s32 $0x30, s19;
	v6 =	vmov v11  }
0x32: {  	s16 =	sadd.s32 $0x2, s16;
	s23 =	sor.u32 $0x80, s20;
	s19 =	sor.u32 $0x80, s19;
	[tilespmem:v7+s7+$0x0] =	vst.idx.add.f32.msk vm3, v3  }
0x33: {  	s17 =	sadd.s32 $0x40, s17;
	p0 =	por !p0, !p0;
	s20 =	sand.u32 $0x3, s16;
	v7 =	vld [tilespmem:s19+$0x0]  }
0x34: {  	s22 =	sadd.s32 $0xFFFFFFD0, s17;
	s21 =	sadd.s32 $0xFFFFFFE0, s17;
	v9 =	vor.u32 s17, v2;
	s19 =	sadd.s32 $0xFFFFFFF0, s17;
	v8 =	vld [tilespmem:s23+$0x0]  }
0x35: {  	s13 =	sshll.u32 s20, $0x5;
	s12 =	sadd.s32 $0x80, s12  }
0x36: {  	s12 =	sadd.s32 s13, s12  }
0x37: {  	v10 =	vor.u32 s22, v2;
	v11 =	vld [tilespmem:s18+$0x0];
	v12 =	vor.u32 s21, v2;
	vm3 =	vge.u32 v9, v0;
	s12 =	sor.u32 $0x80, s12  }
0x38: {  	vm4 =	vge.u32 v10, v0;
	vm5 =	vge.u32 v12, v0;
	v63 =	vld [tilespmem:s12+$0x0]  }
0x39: {  	v62 =	vor.u32 s19, v2;
	vm4 =	vmmov vm4  }
0x3a: {  	[tilespmem:v5+s7+$0x0] =	vst.idx.add.f32.msk vm0, v3;
	vm6 =	vge.u32 v62, v0  }
0x3b: {  	[tilespmem:v6+s7+$0x0] =	vst.idx.add.f32.msk vm1, v3  }
0x3c: {  	[tilespmem:v4+s7+$0x0] =	vst.idx.add.f32.msk vm2, v3  }
0x3d: {  	[tilespmem:v7+s7+$0x0] =	vst.idx.add.f32.msk vm3, v3  }
0x3e: {  	s11 =	sadd.s32 $0x1, s11;
	[tilespmem:v8+s7+$0x0] =	vst.idx.add.f32.msk vm5, v3  }
0x3f: {  	p0 =	sne.s32 s11, s5;
	[tilespmem:v11+s7+$0x0] =	vst.idx.add.f32.msk vm4, v3  }
.Ltmp2:
0x40: {  	[tilespmem:v63+s7+$0x0] =	vst.idx.add.f32.msk vm6, v3;
	(pc) =	sbr.rel @p0 .LBB2_1-.Ltmp2, $4  }
0x41: {  	[hbm4b:s4+s8] =	stream.strided.scatter [tilespmem:s7], [sflag:$0x2], $0x2780, s9, s8, $0x38;
	[tilespmem:$0x7780] =	vst v63  }
0x42: {  	_ =	swait.ge [sflag:s10], $0x2780  }
0x43: {  	[sflag:s10] =	ssyncset.done $0x0  }
0x44: {  	vm15 =	vmmov vm6;
	[sflag:s10] =	ssyncadd.s32 $0xFFFFD880  }
0x45: {  	_ =	sfence.sel $0x180000  }
0x46: {  	[bflag:$0x0] =	sbarrier.arrive $0xFFFF  }
0x47: {  	p0 =	sne.s32 s0, $0x0;
	_ =	strace $0x90000047  }
0x48: {  	s0 =	sadd.s32 @!p0 $0x100000, s1;
	[bflag:$0x2] =	sbarrier.arrive $0xFFFF  }
0x49: {  	[sflag:s0] =	ssyncadd.tile.s32 @!p0 $0x1;
	_ =	shalt  }
.Lfunc_end2:
_tile_overlayer_lowered:
.L_overlay_start_2:
0x4a: {  	(tag) =	ssettag $0x2  }
0x4b: {  	s0 =	rddreg [dreg:$0x0];
	s2 =	stileid.u32  }
0x4c: {  	s1 =	rddreg [dreg:$0x1];
	p0 =	sne.s32 s2, $0x0  }
0x4d: {  	s3 =	rddreg [dreg:$0x2];
	[bflag:$0x3] =	sbarrier.arrive $0xFFFF;
	s2 =	simm.s32 @!p0 $0x1C02  }
0x4e: {  	[timem:s3], [sflag:s2] =	dma.local @!p0 [hbm:s0], s1  }
0x4f: {  	s0 =	simm.s32 @!p0 $0x2  }
0x50: {  	_ =	swait.ge @!p0 [sflag:s0], s1  }
0x51: {  	s1 =	ssub.s32 @!p0 $0x0, s1;
	[sflag:s0] =	ssyncset.done @!p0 $0x0  }
0x52: {  	[sflag:s0] =	ssyncadd.s32 @!p0 s1  }
0x53: {  	[bflag:$0x3] =	sbarrier.arrive $0xFFFF  }
0x54: {  	_ =	shalt  }

</sc_bundles>
